<compile_context>
chip_gen: v7x
topology: tpu7x:2x2x1
jax: 0.10.2.dev20260603
libtpu: 0.0.44.dev20260713+nightly
codegen_flags: <defaults>
</compile_context>

<pallas_src>
import functools

import jax
import jax.numpy as jnp
from jax import lax
from jax.experimental import pallas as pl
from jax.experimental.pallas import tpu as pltpu
from jax.experimental.pallas import tpu_sc as plsc

D = 128
NC, NS = 2, 16
NW = NC * NS

N_NODES_, NAF_ = 10000, 9
N_EDGES_, NBF_ = 320000, 3
ATOM_V, BOND_V = 1152, 384
ATOM_B = N_NODES_ * NAF_
BOND_B = N_EDGES_ * NBF_

CHB = 200
BOND_PW = N_EDGES_ // NW
BOND_NCH = BOND_PW // CHB

RBA = 720


def _sc_bond(e_flat, bond_table):
  mesh = plsc.VectorSubcoreMesh(core_axis_name="c", subcore_axis_name="s")

  @functools.partial(
      pl.kernel,
      out_type=jax.ShapeDtypeStruct((BOND_B, D), jnp.float32),
      mesh=mesh,
      scratch_types=[
          pltpu.VMEM_SHARED((BOND_V, D), jnp.float32),
          pltpu.VMEM((BOND_PW,), jnp.int32),
          pltpu.VMEM((CHB, D), jnp.float32),
          pltpu.VMEM((CHB, D), jnp.float32),
          pltpu.VMEM((CHB, D), jnp.float32),
          pltpu.VMEM((CHB, D), jnp.float32),
          pltpu.SemaphoreType.DMA,
          pltpu.SemaphoreType.DMA,
          pltpu.SemaphoreType.DMA,
          pltpu.SemaphoreType.DMA,
          pltpu.SemaphoreType.DMA,
          pltpu.SemaphoreType.DMA,
          pltpu.SemaphoreType.DMA,
          pltpu.SemaphoreType.DMA,
      ],
  )
  def k(e_hbm, bt_hbm, bout_hbm, bt_sp, bidx, rA, rB, rC, rD,
        gsA, gsB, gsC, gsD, ssA, ssB, ssC, ssD):
    sid = lax.axis_index("s")
    wid = sid * NC + lax.axis_index("c")

    @pl.when(sid == 0)
    def _():
      pltpu.sync_copy(bt_hbm, bt_sp)

    plsc.subcore_barrier()

    pair_sets = ((rA, gsA, ssA, rB, gsB, ssB), (rC, gsC, ssC, rD, gsD, ssD))
    pairs_per_plane = BOND_NCH // 2

    for f in range(NBF_):
      pbase = f * N_EDGES_ + wid * BOND_PW
      pltpu.sync_copy(e_hbm.at[pl.ds(pbase, BOND_PW)], bidx)

      def start_gather(rbuf, sem, c):
        return pltpu.async_copy(
            bt_sp.at[bidx.at[pl.ds(c * CHB, CHB)]], rbuf, sem)

      def start_scatter(rbuf, sem, c, pbase=pbase):
        return pltpu.async_copy(
            rbuf, bout_hbm.at[pl.ds(pbase + c * CHB, CHB)], sem)

      def drain_scatter(rbuf, sem, c, pbase=pbase):
        pltpu.make_async_copy(
            rbuf, bout_hbm.at[pl.ds(pbase + c * CHB, CHB)], sem).wait()

      def wait_gather(rbuf, sem, c):
        pltpu.make_async_copy(
            bt_sp.at[bidx.at[pl.ds(c * CHB, CHB)]], rbuf, sem).wait()

      def pair(t, carry, f=f):
        c0 = 2 * t
        c1 = c0 + 1

        def issue_set(s, skip_drain_below, t=t, c0=c0, c1=c1):
          bA, gA_s, sA_s, bB, gB_s, sB_s = pair_sets[s]
          if skip_drain_below is None:
            drain_scatter(bA, sA_s, c0)
            drain_scatter(bB, sB_s, c1)
          else:
            @pl.when(t > skip_drain_below)
            def _():
              drain_scatter(bA, sA_s, c0)
              drain_scatter(bB, sB_s, c1)
          start_gather(bA, gA_s, c0)
          start_gather(bB, gB_s, c1)

        def scatter_prev_set(s, t=t, c0=c0, c1=c1):
          bA, gA_s, sA_s, bB, gB_s, sB_s = pair_sets[s]
          wait_gather(bA, gA_s, c0 - 2)
          start_scatter(bA, sA_s, c0 - 2)
          wait_gather(bB, gB_s, c1 - 2)
          start_scatter(bB, sB_s, c1 - 2)

        even_set = f % 2
        @pl.when(lax.rem(t, 2) == 0)
        def _():
          issue_set(even_set, (1 if f == 0 else None))
          @pl.when(t > 0)
          def _():
            scatter_prev_set(1 - even_set)
        @pl.when(lax.rem(t, 2) == 1)
        def _():
          issue_set(1 - even_set, (2 if f == 0 else None))
          scatter_prev_set(even_set)
        return carry

      lax.fori_loop(0, pairs_per_plane, pair, 0)

      last_set = f % 2
      bA, gA_s, sA_s, bB, gB_s, sB_s = pair_sets[last_set]
      cl0 = BOND_NCH - 2
      wait_gather(bA, gA_s, cl0)
      start_scatter(bA, sA_s, cl0)
      wait_gather(bB, gB_s, cl0 + 1)
      start_scatter(bB, sB_s, cl0 + 1)

    final_base = (NBF_ - 1) * N_EDGES_ + wid * BOND_PW
    for rbuf, sem in ((rA, ssA), (rB, ssB), (rC, ssC), (rD, ssD)):
      pltpu.make_async_copy(
          rbuf, bout_hbm.at[pl.ds(final_base, CHB)], sem).wait()

  return k(e_flat, bond_table)


def _tc_atom_kernel(idx_ref, tab_ref, out_ref):
  idx = idx_ref[0, 0, :]
  onehot = (idx[:, None] ==
            lax.broadcasted_iota(jnp.int32, (RBA, ATOM_V), 1)
            ).astype(jnp.bfloat16)
  out_ref[...] = jnp.dot(onehot, tab_ref[...],
                         preferred_element_type=jnp.float32)


def _tc_atom(x_flat, atom_table):
  nb = ATOM_B // RBA
  tab16 = atom_table.astype(jnp.bfloat16)
  x3 = x_flat.reshape(nb, 1, RBA)
  return pl.pallas_call(
      _tc_atom_kernel,
      grid=(nb,),
      in_specs=[
          pl.BlockSpec((1, 1, RBA), lambda i: (i, 0, 0)),
          pl.BlockSpec((ATOM_V, D), lambda i: (0, 0)),
      ],
      out_specs=pl.BlockSpec((RBA, D), lambda i: (i, 0)),
      out_shape=jax.ShapeDtypeStruct((ATOM_B, D), jnp.float32),
      compiler_params=pltpu.CompilerParams(
          dimension_semantics=("arbitrary",)),
  )(x3, tab16)


def kernel(x, edge_attr, atom_table, bond_table):
  x_flat = x.T.reshape(ATOM_B)
  e_flat = edge_attr.T.reshape(BOND_B)
  a_out = _tc_atom(x_flat, atom_table)
  b_out = _sc_bond(e_flat, bond_table)
  return (
      a_out.reshape(NAF_, N_NODES_, D).transpose(1, 0, 2),
      b_out.reshape(NBF_, N_EDGES_, D).transpose(1, 0, 2),
  )

# --- scband reference (transcript-rebuilt; emitter-appended) ---
"""Pipeline reference for scband-meta-score-8607114461808 (READ-ONLY COPY).

The authoritative reference and input builder live on the scoring server;
editing this copy changes nothing except your own understanding.
"""

import jax, jax.numpy as jnp
import numpy as np

N_NODES = 10000
N_EDGES = 320000
NUM_ATOM_FEATURES = 9
NUM_BOND_FEATURES = 3
OFFSET = 128
EMBED_DIM = 128
ATOM_VOCAB = NUM_ATOM_FEATURES * OFFSET  # 1152
BOND_VOCAB = NUM_BOND_FEATURES * OFFSET  # 384


def setup_inputs(seed: int = 0) -> dict:
    key = jax.random.key(seed)
    k1, k2, k3, k4 = jax.random.split(key, 4)
    x = jax.random.randint(k1, (N_NODES, NUM_ATOM_FEATURES), 0, ATOM_VOCAB, dtype=jnp.int64 if jax.config.jax_enable_x64 else jnp.int32)
    edge_attr = jax.random.randint(k2, (N_EDGES, NUM_BOND_FEATURES), 0, BOND_VOCAB, dtype=jnp.int64 if jax.config.jax_enable_x64 else jnp.int32)
    atom_table = jax.random.normal(k3, (ATOM_VOCAB, EMBED_DIM), dtype=jnp.float32) * 0.02
    bond_table = jax.random.normal(k4, (BOND_VOCAB, EMBED_DIM), dtype=jnp.float32) * 0.02
    return {"x": x, "edge_attr": edge_attr, "atom_table": atom_table, "bond_table": bond_table}


def reference(x, edge_attr, atom_table, bond_table):
    # MoleculeEmbedding.forward: two embedding gathers (SparseCore-friendly)
    x_embedded = jnp.take(atom_table, x, axis=0)            # [N, num_atom_features, D]
    edge_attr_embedded = jnp.take(bond_table, edge_attr, axis=0)  # [E, num_bond_features, D]
    return (x_embedded, edge_attr_embedded)

if __name__ == "__main__":
    import jax
    _d = setup_inputs()
    print(jax.jit(kernel)(*tuple(_d.values())))

</pallas_src>

<mosaic_0001>
#map = affine_map<(d0, d1) -> (0)>
#map1 = affine_map<(d0, d1) -> (0, 0)>
module attributes {stable_mosaic.version = 14 : i64} {
  func.func @k(%arg0: i32, %arg1: i32, %arg2: memref<960000xi32, #tpu.memory_space<hbm>>, %arg3: memref<384x128xf32, #tpu.memory_space<hbm>>, %arg4: memref<960000x128xf32, #tpu.memory_space<hbm>>, %arg5: memref<384x128xf32, #tpu.memory_space<vmem_shared>>, %arg6: memref<10000xi32, #tpu.memory_space<vmem>>, %arg7: memref<200x128xf32, #tpu.memory_space<vmem>>, %arg8: memref<200x128xf32, #tpu.memory_space<vmem>>, %arg9: memref<200x128xf32, #tpu.memory_space<vmem>>, %arg10: memref<200x128xf32, #tpu.memory_space<vmem>>, %arg11: memref<!tpu.dma_semaphore, #tpu.memory_space<semaphore_mem>>, %arg12: memref<!tpu.dma_semaphore, #tpu.memory_space<semaphore_mem>>, %arg13: memref<!tpu.dma_semaphore, #tpu.memory_space<semaphore_mem>>, %arg14: memref<!tpu.dma_semaphore, #tpu.memory_space<semaphore_mem>>, %arg15: memref<!tpu.dma_semaphore, #tpu.memory_space<semaphore_mem>>, %arg16: memref<!tpu.dma_semaphore, #tpu.memory_space<semaphore_mem>>, %arg17: memref<!tpu.dma_semaphore, #tpu.memory_space<semaphore_mem>>, %arg18: memref<!tpu.dma_semaphore, #tpu.memory_space<semaphore_mem>>) attributes {dimension_semantics = [#tpu.dimension_semantics<core_parallel>, #tpu.dimension_semantics<subcore_parallel>], iteration_bounds = array<i64: 2, 16>, scalar_prefetch = 0 : i64, scratch_operands = 14 : i64, tpu.core_type = #tpu.core_type<sc_vector_subcore>, window_params = [{transform_indices = #map}, {transform_indices = #map1}, {transform_indices = #map1}]} {
    %mul3A = arith.constant 2 : i32
    %mul3A_0 = arith.muli %arg1, %mul3A : i32
    %add3A = arith.addi %mul3A_0, %arg0 : i32
    %eq3A = arith.constant 0 : i32
    %eq3A_1 = arith.cmpi eq, %arg1, %eq3A : i32
    %convert_element_type3A = arith.extui %eq3A_1 : i1 to i32
    %cond3A = arith.constant 0 : i32
    %cond3A_2 = arith.cmpi ne, %convert_element_type3A, %cond3A : i32
    scf.if %cond3A_2 {
      "tpu.region"() ({
        %run_scoped3A = tpu.sem_alloc : memref<!tpu.dma_semaphore, #tpu.memory_space<semaphore_mem>>
        tpu.enqueue_dma source(%arg3 : memref<384x128xf32, #tpu.memory_space<hbm>>) target(%arg5 : memref<384x128xf32, #tpu.memory_space<vmem_shared>>) target_semaphore(%run_scoped3A : memref<!tpu.dma_semaphore, #tpu.memory_space<semaphore_mem>>)
        tpu.wait_dma2 semaphore(%run_scoped3A : memref<!tpu.dma_semaphore, #tpu.memory_space<semaphore_mem>>) src(%arg3 : memref<384x128xf32, #tpu.memory_space<hbm>>) dst(%arg5 : memref<384x128xf32, #tpu.memory_space<vmem_shared>>)
        tpu.yield
      }) : () -> ()
    } else {
    }
    %barrier3A = arith.constant 0 : index
    tpu.barrier barrier_id(%barrier3A)
    %mul3A_3 = arith.constant 10000 : i32
    %mul3A_4 = arith.muli %add3A, %mul3A_3 : i32
    %add3A_5 = arith.constant 0 : i32
    %add3A_6 = arith.addi %add3A_5, %mul3A_4 : i32
    "tpu.region"() ({
      %run_scoped3A = tpu.sem_alloc : memref<!tpu.dma_semaphore, #tpu.memory_space<semaphore_mem>>
      %dma_start3A_116 = tpu.memref_slice %arg2[%add3A_6] : memref<960000xi32, #tpu.memory_space<hbm>> -> memref<10000xi32, #tpu.memory_space<hbm>>
      %dma_start3A_117 = tpu.memref_slice %arg2[%add3A_6] : memref<960000xi32, #tpu.memory_space<hbm>> -> memref<10000xi32, #tpu.memory_space<hbm>>
      tpu.enqueue_dma source(%dma_start3A_117 : memref<10000xi32, #tpu.memory_space<hbm>>) target(%arg6 : memref<10000xi32, #tpu.memory_space<vmem>>) target_semaphore(%run_scoped3A : memref<!tpu.dma_semaphore, #tpu.memory_space<semaphore_mem>>)
      %dma_wait3A_118 = tpu.memref_slice %arg2[%add3A_6] : memref<960000xi32, #tpu.memory_space<hbm>> -> memref<10000xi32, #tpu.memory_space<hbm>>
      %dma_wait3A_119 = tpu.memref_slice %arg2[%add3A_6] : memref<960000xi32, #tpu.memory_space<hbm>> -> memref<10000xi32, #tpu.memory_space<hbm>>
      tpu.wait_dma2 semaphore(%run_scoped3A : memref<!tpu.dma_semaphore, #tpu.memory_space<semaphore_mem>>) src(%dma_wait3A_119 : memref<10000xi32, #tpu.memory_space<hbm>>) dst(%arg6 : memref<10000xi32, #tpu.memory_space<vmem>>)
      tpu.yield
    }) : () -> ()
    %scan3A = arith.constant 0 : i32
    %scan3A_7 = arith.constant 0 : i32
    %scan3A_8 = arith.constant 25 : i32
    %scan3A_9 = arith.addi %scan3A_7, %scan3A_8 : i32
    %scan3A_10 = arith.constant 1 : i32
    scf.for %scan3A_116 = %scan3A_7 to %scan3A_9 step %scan3A_10  : i32 {
      %mul3A_117 = arith.constant 2 : i32
      %mul3A_118 = arith.muli %mul3A_117, %scan3A_116 : i32
      %add3A_119 = arith.constant 1 : i32
      %add3A_120 = arith.addi %mul3A_118, %add3A_119 : i32
      %rem3A = arith.constant 2 : i32
      %rem3A_121 = arith.remsi %scan3A_116, %rem3A : i32
      %eq3A_122 = arith.constant 0 : i32
      %eq3A_123 = arith.cmpi eq, %rem3A_121, %eq3A_122 : i32
      %convert_element_type3A_124 = arith.extui %eq3A_123 : i1 to i32
      %cond3A_125 = arith.constant 0 : i32
      %cond3A_126 = arith.cmpi ne, %convert_element_type3A_124, %cond3A_125 : i32
      scf.if %cond3A_126 {
        %gt3A = arith.constant 1 : i32
        %gt3A_134 = arith.cmpi sgt, %scan3A_116, %gt3A : i32
        %convert_element_type3A_135 = arith.extui %gt3A_134 : i1 to i32
        %cond3A_136 = arith.constant 0 : i32
        %cond3A_137 = arith.cmpi ne, %convert_element_type3A_135, %cond3A_136 : i32
        scf.if %cond3A_137 {
          %mul3A_155 = arith.constant 200 : i32
          %mul3A_156 = arith.muli %mul3A_118, %mul3A_155 : i32
          %add3A_157 = arith.addi %add3A_6, %mul3A_156 : i32
          %dma_wait3A_158 = arith.constant 0 : i32
          %dma_wait3A_159 = tpu.memref_slice %arg4[%add3A_157, %dma_wait3A_158] : memref<960000x128xf32, #tpu.memory_space<hbm>> -> memref<200x128xf32, #tpu.memory_space<hbm>>
          %dma_wait3A_160 = arith.constant 0 : i32
          %dma_wait3A_161 = tpu.memref_slice %arg4[%add3A_157, %dma_wait3A_160] : memref<960000x128xf32, #tpu.memory_space<hbm>> -> memref<200x128xf32, #tpu.memory_space<hbm>>
          tpu.wait_dma2 semaphore(%arg15 : memref<!tpu.dma_semaphore, #tpu.memory_space<semaphore_mem>>) src(%arg7 : memref<200x128xf32, #tpu.memory_space<vmem>>) dst(%dma_wait3A_161 : memref<200x128xf32, #tpu.memory_space<hbm>>)
          %mul3A_162 = arith.constant 200 : i32
          %mul3A_163 = arith.muli %add3A_120, %mul3A_162 : i32
          %add3A_164 = arith.addi %add3A_6, %mul3A_163 : i32
          %dma_wait3A_165 = arith.constant 0 : i32
          %dma_wait3A_166 = tpu.memref_slice %arg4[%add3A_164, %dma_wait3A_165] : memref<960000x128xf32, #tpu.memory_space<hbm>> -> memref<200x128xf32, #tpu.memory_space<hbm>>
          %dma_wait3A_167 = arith.constant 0 : i32
          %dma_wait3A_168 = tpu.memref_slice %arg4[%add3A_164, %dma_wait3A_167] : memref<960000x128xf32, #tpu.memory_space<hbm>> -> memref<200x128xf32, #tpu.memory_space<hbm>>
          tpu.wait_dma2 semaphore(%arg16 : memref<!tpu.dma_semaphore, #tpu.memory_space<semaphore_mem>>) src(%arg8 : memref<200x128xf32, #tpu.memory_space<vmem>>) dst(%dma_wait3A_168 : memref<200x128xf32, #tpu.memory_space<hbm>>)
        } else {
        }
        %mul3A_138 = arith.constant 200 : i32
        %mul3A_139 = arith.muli %mul3A_118, %mul3A_138 : i32
        %dma_start3A_140 = tpu.memref_slice %arg6[%mul3A_139] : memref<10000xi32, #tpu.memory_space<vmem>> -> memref<200xi32, #tpu.memory_space<vmem>>
        %dma_start3A_141 = arith.constant 0 : i32
        %dma_start3A_142 = arith.constant 0 : i32
        %dma_start3A_143 = tpu.memref_slice %arg5[%dma_start3A_141, %dma_start3A_142] : memref<384x128xf32, #tpu.memory_space<vmem_shared>> -> memref<384x128xf32, #tpu.memory_space<vmem_shared>>
        tpu.enqueue_indirect_dma source(%dma_start3A_143 : memref<384x128xf32, #tpu.memory_space<vmem_shared>>) target(%arg7 : memref<200x128xf32, #tpu.memory_space<vmem>>) offsets(%dma_start3A_140 : memref<200xi32, #tpu.memory_space<vmem>>) semaphore(%arg11 : memref<!tpu.dma_semaphore, #tpu.memory_space<semaphore_mem>>)
        %mul3A_144 = arith.constant 200 : i32
        %mul3A_145 = arith.muli %add3A_120, %mul3A_144 : i32
        %dma_start3A_146 = tpu.memref_slice %arg6[%mul3A_145] : memref<10000xi32, #tpu.memory_space<vmem>> -> memref<200xi32, #tpu.memory_space<vmem>>
        %dma_start3A_147 = arith.constant 0 : i32
        %dma_start3A_148 = arith.constant 0 : i32
        %dma_start3A_149 = tpu.memref_slice %arg5[%dma_start3A_147, %dma_start3A_148] : memref<384x128xf32, #tpu.memory_space<vmem_shared>> -> memref<384x128xf32, #tpu.memory_space<vmem_shared>>
        tpu.enqueue_indirect_dma source(%dma_start3A_149 : memref<384x128xf32, #tpu.memory_space<vmem_shared>>) target(%arg8 : memref<200x128xf32, #tpu.memory_space<vmem>>) offsets(%dma_start3A_146 : memref<200xi32, #tpu.memory_space<vmem>>) semaphore(%arg12 : memref<!tpu.dma_semaphore, #tpu.memory_space<semaphore_mem>>)
        %gt3A_150 = arith.constant 0 : i32
        %gt3A_151 = arith.cmpi sgt, %scan3A_116, %gt3A_150 : i32
        %convert_element_type3A_152 = arith.extui %gt3A_151 : i1 to i32
        %cond3A_153 = arith.constant 0 : i32
        %cond3A_154 = arith.cmpi ne, %convert_element_type3A_152, %cond3A_153 : i32
        scf.if %cond3A_154 {
          %sub3A = arith.constant 2 : i32
          %sub3A_155 = arith.subi %mul3A_118, %sub3A : i32
          %mul3A_156 = arith.constant 200 : i32
          %mul3A_157 = arith.muli %sub3A_155, %mul3A_156 : i32
          %dma_wait3A_158 = tpu.memref_slice %arg6[%mul3A_157] : memref<10000xi32, #tpu.memory_space<vmem>> -> memref<200xi32, #tpu.memory_space<vmem>>
          %dma_wait3A_159 = arith.constant 0 : i32
          %dma_wait3A_160 = arith.constant 0 : i32
          %dma_wait3A_161 = tpu.memref_slice %arg5[%dma_wait3A_159, %dma_wait3A_160] : memref<384x128xf32, #tpu.memory_space<vmem_shared>> -> memref<384x128xf32, #tpu.memory_space<vmem_shared>>
          tpu.wait_indirect_dma semaphore(%arg13 : memref<!tpu.dma_semaphore, #tpu.memory_space<semaphore_mem>>) src(%dma_wait3A_161 : memref<384x128xf32, #tpu.memory_space<vmem_shared>>) dst(%arg9 : memref<200x128xf32, #tpu.memory_space<vmem>>)
          %sub3A_162 = arith.constant 2 : i32
          %sub3A_163 = arith.subi %mul3A_118, %sub3A_162 : i32
          %mul3A_164 = arith.constant 200 : i32
          %mul3A_165 = arith.muli %sub3A_163, %mul3A_164 : i32
          %add3A_166 = arith.addi %add3A_6, %mul3A_165 : i32
          %dma_start3A_167 = arith.constant 0 : i32
          %dma_start3A_168 = tpu.memref_slice %arg4[%add3A_166, %dma_start3A_167] : memref<960000x128xf32, #tpu.memory_space<hbm>> -> memref<200x128xf32, #tpu.memory_space<hbm>>
          %dma_start3A_169 = arith.constant 0 : i32
          %dma_start3A_170 = tpu.memref_slice %arg4[%add3A_166, %dma_start3A_169] : memref<960000x128xf32, #tpu.memory_space<hbm>> -> memref<200x128xf32, #tpu.memory_space<hbm>>
          tpu.enqueue_dma source(%arg9 : memref<200x128xf32, #tpu.memory_space<vmem>>) target(%dma_start3A_170 : memref<200x128xf32, #tpu.memory_space<hbm>>) target_semaphore(%arg17 : memref<!tpu.dma_semaphore, #tpu.memory_space<semaphore_mem>>)
          %sub3A_171 = arith.constant 2 : i32
          %sub3A_172 = arith.subi %add3A_120, %sub3A_171 : i32
          %mul3A_173 = arith.constant 200 : i32
          %mul3A_174 = arith.muli %sub3A_172, %mul3A_173 : i32
          %dma_wait3A_175 = tpu.memref_slice %arg6[%mul3A_174] : memref<10000xi32, #tpu.memory_space<vmem>> -> memref<200xi32, #tpu.memory_space<vmem>>
          %dma_wait3A_176 = arith.constant 0 : i32
          %dma_wait3A_177 = arith.constant 0 : i32
          %dma_wait3A_178 = tpu.memref_slice %arg5[%dma_wait3A_176, %dma_wait3A_177] : memref<384x128xf32, #tpu.memory_space<vmem_shared>> -> memref<384x128xf32, #tpu.memory_space<vmem_shared>>
          tpu.wait_indirect_dma semaphore(%arg14 : memref<!tpu.dma_semaphore, #tpu.memory_space<semaphore_mem>>) src(%dma_wait3A_178 : memref<384x128xf32, #tpu.memory_space<vmem_shared>>) dst(%arg10 : memref<200x128xf32, #tpu.memory_space<vmem>>)
          %sub3A_179 = arith.constant 2 : i32
          %sub3A_180 = arith.subi %add3A_120, %sub3A_179 : i32
          %mul3A_181 = arith.constant 200 : i32
          %mul3A_182 = arith.muli %sub3A_180, %mul3A_181 : i32
          %add3A_183 = arith.addi %add3A_6, %mul3A_182 : i32
          %dma_start3A_184 = arith.constant 0 : i32
          %dma_start3A_185 = tpu.memref_slice %arg4[%add3A_183, %dma_start3A_184] : memref<960000x128xf32, #tpu.memory_space<hbm>> -> memref<200x128xf32, #tpu.memory_space<hbm>>
          %dma_start3A_186 = arith.constant 0 : i32
          %dma_start3A_187 = tpu.memref_slice %arg4[%add3A_183, %dma_start3A_186] : memref<960000x128xf32, #tpu.memory_space<hbm>> -> memref<200x128xf32, #tpu.memory_space<hbm>>
          tpu.enqueue_dma source(%arg10 : memref<200x128xf32, #tpu.memory_space<vmem>>) target(%dma_start3A_187 : memref<200x128xf32, #tpu.memory_space<hbm>>) target_semaphore(%arg18 : memref<!tpu.dma_semaphore, #tpu.memory_space<semaphore_mem>>)
        } else {
        }
      } else {
      }
      %rem3A_127 = arith.constant 2 : i32
      %rem3A_128 = arith.remsi %scan3A_116, %rem3A_127 : i32
      %eq3A_129 = arith.constant 1 : i32
      %eq3A_130 = arith.cmpi eq, %rem3A_128, %eq3A_129 : i32
      %convert_element_type3A_131 = arith.extui %eq3A_130 : i1 to i32
      %cond3A_132 = arith.constant 0 : i32
      %cond3A_133 = arith.cmpi ne, %convert_element_type3A_131, %cond3A_132 : i32
      scf.if %cond3A_133 {
        %gt3A = arith.constant 2 : i32
        %gt3A_134 = arith.cmpi sgt, %scan3A_116, %gt3A : i32
        %convert_element_type3A_135 = arith.extui %gt3A_134 : i1 to i32
        %cond3A_136 = arith.constant 0 : i32
        %cond3A_137 = arith.cmpi ne, %convert_element_type3A_135, %cond3A_136 : i32
        scf.if %cond3A_137 {
          %mul3A_183 = arith.constant 200 : i32
          %mul3A_184 = arith.muli %mul3A_118, %mul3A_183 : i32
          %add3A_185 = arith.addi %add3A_6, %mul3A_184 : i32
          %dma_wait3A_186 = arith.constant 0 : i32
          %dma_wait3A_187 = tpu.memref_slice %arg4[%add3A_185, %dma_wait3A_186] : memref<960000x128xf32, #tpu.memory_space<hbm>> -> memref<200x128xf32, #tpu.memory_space<hbm>>
          %dma_wait3A_188 = arith.constant 0 : i32
          %dma_wait3A_189 = tpu.memref_slice %arg4[%add3A_185, %dma_wait3A_188] : memref<960000x128xf32, #tpu.memory_space<hbm>> -> memref<200x128xf32, #tpu.memory_space<hbm>>
          tpu.wait_dma2 semaphore(%arg17 : memref<!tpu.dma_semaphore, #tpu.memory_space<semaphore_mem>>) src(%arg9 : memref<200x128xf32, #tpu.memory_space<vmem>>) dst(%dma_wait3A_189 : memref<200x128xf32, #tpu.memory_space<hbm>>)
          %mul3A_190 = arith.constant 200 : i32
          %mul3A_191 = arith.muli %add3A_120, %mul3A_190 : i32
          %add3A_192 = arith.addi %add3A_6, %mul3A_191 : i32
          %dma_wait3A_193 = arith.constant 0 : i32
          %dma_wait3A_194 = tpu.memref_slice %arg4[%add3A_192, %dma_wait3A_193] : memref<960000x128xf32, #tpu.memory_space<hbm>> -> memref<200x128xf32, #tpu.memory_space<hbm>>
          %dma_wait3A_195 = arith.constant 0 : i32
          %dma_wait3A_196 = tpu.memref_slice %arg4[%add3A_192, %dma_wait3A_195] : memref<960000x128xf32, #tpu.memory_space<hbm>> -> memref<200x128xf32, #tpu.memory_space<hbm>>
          tpu.wait_dma2 semaphore(%arg18 : memref<!tpu.dma_semaphore, #tpu.memory_space<semaphore_mem>>) src(%arg10 : memref<200x128xf32, #tpu.memory_space<vmem>>) dst(%dma_wait3A_196 : memref<200x128xf32, #tpu.memory_space<hbm>>)
        } else {
        }
        %mul3A_138 = arith.constant 200 : i32
        %mul3A_139 = arith.muli %mul3A_118, %mul3A_138 : i32
        %dma_start3A_140 = tpu.memref_slice %arg6[%mul3A_139] : memref<10000xi32, #tpu.memory_space<vmem>> -> memref<200xi32, #tpu.memory_space<vmem>>
        %dma_start3A_141 = arith.constant 0 : i32
        %dma_start3A_142 = arith.constant 0 : i32
        %dma_start3A_143 = tpu.memref_slice %arg5[%dma_start3A_141, %dma_start3A_142] : memref<384x128xf32, #tpu.memory_space<vmem_shared>> -> memref<384x128xf32, #tpu.memory_space<vmem_shared>>
        tpu.enqueue_indirect_dma source(%dma_start3A_143 : memref<384x128xf32, #tpu.memory_space<vmem_shared>>) target(%arg9 : memref<200x128xf32, #tpu.memory_space<vmem>>) offsets(%dma_start3A_140 : memref<200xi32, #tpu.memory_space<vmem>>) semaphore(%arg13 : memref<!tpu.dma_semaphore, #tpu.memory_space<semaphore_mem>>)
        %mul3A_144 = arith.constant 200 : i32
        %mul3A_145 = arith.muli %add3A_120, %mul3A_144 : i32
        %dma_start3A_146 = tpu.memref_slice %arg6[%mul3A_145] : memref<10000xi32, #tpu.memory_space<vmem>> -> memref<200xi32, #tpu.memory_space<vmem>>
        %dma_start3A_147 = arith.constant 0 : i32
        %dma_start3A_148 = arith.constant 0 : i32
        %dma_start3A_149 = tpu.memref_slice %arg5[%dma_start3A_147, %dma_start3A_148] : memref<384x128xf32, #tpu.memory_space<vmem_shared>> -> memref<384x128xf32, #tpu.memory_space<vmem_shared>>
        tpu.enqueue_indirect_dma source(%dma_start3A_149 : memref<384x128xf32, #tpu.memory_space<vmem_shared>>) target(%arg10 : memref<200x128xf32, #tpu.memory_space<vmem>>) offsets(%dma_start3A_146 : memref<200xi32, #tpu.memory_space<vmem>>) semaphore(%arg14 : memref<!tpu.dma_semaphore, #tpu.memory_space<semaphore_mem>>)
        %sub3A = arith.constant 2 : i32
        %sub3A_150 = arith.subi %mul3A_118, %sub3A : i32
        %mul3A_151 = arith.constant 200 : i32
        %mul3A_152 = arith.muli %sub3A_150, %mul3A_151 : i32
        %dma_wait3A_153 = tpu.memref_slice %arg6[%mul3A_152] : memref<10000xi32, #tpu.memory_space<vmem>> -> memref<200xi32, #tpu.memory_space<vmem>>
        %dma_wait3A_154 = arith.constant 0 : i32
        %dma_wait3A_155 = arith.constant 0 : i32
        %dma_wait3A_156 = tpu.memref_slice %arg5[%dma_wait3A_154, %dma_wait3A_155] : memref<384x128xf32, #tpu.memory_space<vmem_shared>> -> memref<384x128xf32, #tpu.memory_space<vmem_shared>>
        tpu.wait_indirect_dma semaphore(%arg11 : memref<!tpu.dma_semaphore, #tpu.memory_space<semaphore_mem>>) src(%dma_wait3A_156 : memref<384x128xf32, #tpu.memory_space<vmem_shared>>) dst(%arg7 : memref<200x128xf32, #tpu.memory_space<vmem>>)
        %sub3A_157 = arith.constant 2 : i32
        %sub3A_158 = arith.subi %mul3A_118, %sub3A_157 : i32
        %mul3A_159 = arith.constant 200 : i32
        %mul3A_160 = arith.muli %sub3A_158, %mul3A_159 : i32
        %add3A_161 = arith.addi %add3A_6, %mul3A_160 : i32
        %dma_start3A_162 = arith.constant 0 : i32
        %dma_start3A_163 = tpu.memref_slice %arg4[%add3A_161, %dma_start3A_162] : memref<960000x128xf32, #tpu.memory_space<hbm>> -> memref<200x128xf32, #tpu.memory_space<hbm>>
        %dma_start3A_164 = arith.constant 0 : i32
        %dma_start3A_165 = tpu.memref_slice %arg4[%add3A_161, %dma_start3A_164] : memref<960000x128xf32, #tpu.memory_space<hbm>> -> memref<200x128xf32, #tpu.memory_space<hbm>>
        tpu.enqueue_dma source(%arg7 : memref<200x128xf32, #tpu.memory_space<vmem>>) target(%dma_start3A_165 : memref<200x128xf32, #tpu.memory_space<hbm>>) target_semaphore(%arg15 : memref<!tpu.dma_semaphore, #tpu.memory_space<semaphore_mem>>)
        %sub3A_166 = arith.constant 2 : i32
        %sub3A_167 = arith.subi %add3A_120, %sub3A_166 : i32
        %mul3A_168 = arith.constant 200 : i32
        %mul3A_169 = arith.muli %sub3A_167, %mul3A_168 : i32
        %dma_wait3A_170 = tpu.memref_slice %arg6[%mul3A_169] : memref<10000xi32, #tpu.memory_space<vmem>> -> memref<200xi32, #tpu.memory_space<vmem>>
        %dma_wait3A_171 = arith.constant 0 : i32
        %dma_wait3A_172 = arith.constant 0 : i32
        %dma_wait3A_173 = tpu.memref_slice %arg5[%dma_wait3A_171, %dma_wait3A_172] : memref<384x128xf32, #tpu.memory_space<vmem_shared>> -> memref<384x128xf32, #tpu.memory_space<vmem_shared>>
        tpu.wait_indirect_dma semaphore(%arg12 : memref<!tpu.dma_semaphore, #tpu.memory_space<semaphore_mem>>) src(%dma_wait3A_173 : memref<384x128xf32, #tpu.memory_space<vmem_shared>>) dst(%arg8 : memref<200x128xf32, #tpu.memory_space<vmem>>)
        %sub3A_174 = arith.constant 2 : i32
        %sub3A_175 = arith.subi %add3A_120, %sub3A_174 : i32
        %mul3A_176 = arith.constant 200 : i32
        %mul3A_177 = arith.muli %sub3A_175, %mul3A_176 : i32
        %add3A_178 = arith.addi %add3A_6, %mul3A_177 : i32
        %dma_start3A_179 = arith.constant 0 : i32
        %dma_start3A_180 = tpu.memref_slice %arg4[%add3A_178, %dma_start3A_179] : memref<960000x128xf32, #tpu.memory_space<hbm>> -> memref<200x128xf32, #tpu.memory_space<hbm>>
        %dma_start3A_181 = arith.constant 0 : i32
        %dma_start3A_182 = tpu.memref_slice %arg4[%add3A_178, %dma_start3A_181] : memref<960000x128xf32, #tpu.memory_space<hbm>> -> memref<200x128xf32, #tpu.memory_space<hbm>>
        tpu.enqueue_dma source(%arg8 : memref<200x128xf32, #tpu.memory_space<vmem>>) target(%dma_start3A_182 : memref<200x128xf32, #tpu.memory_space<hbm>>) target_semaphore(%arg16 : memref<!tpu.dma_semaphore, #tpu.memory_space<semaphore_mem>>)
      } else {
      }
    }
    %scan3A_11 = arith.constant 25 : i32
    %dma_wait3A = arith.constant 9600 : i32
    %dma_wait3A_12 = tpu.memref_slice %arg6[%dma_wait3A] : memref<10000xi32, #tpu.memory_space<vmem>> -> memref<200xi32, #tpu.memory_space<vmem>>
    %dma_wait3A_13 = arith.constant 0 : i32
    %dma_wait3A_14 = arith.constant 0 : i32
    %dma_wait3A_15 = tpu.memref_slice %arg5[%dma_wait3A_13, %dma_wait3A_14] : memref<384x128xf32, #tpu.memory_space<vmem_shared>> -> memref<384x128xf32, #tpu.memory_space<vmem_shared>>
    tpu.wait_indirect_dma semaphore(%arg11 : memref<!tpu.dma_semaphore, #tpu.memory_space<semaphore_mem>>) src(%dma_wait3A_15 : memref<384x128xf32, #tpu.memory_space<vmem_shared>>) dst(%arg7 : memref<200x128xf32, #tpu.memory_space<vmem>>)
    %add3A_16 = arith.constant 9600 : i32
    %add3A_17 = arith.addi %add3A_6, %add3A_16 : i32
    %dma_start3A = arith.constant 0 : i32
    %dma_start3A_18 = tpu.memref_slice %arg4[%add3A_17, %dma_start3A] : memref<960000x128xf32, #tpu.memory_space<hbm>> -> memref<200x128xf32, #tpu.memory_space<hbm>>
    %dma_start3A_19 = arith.constant 0 : i32
    %dma_start3A_20 = tpu.memref_slice %arg4[%add3A_17, %dma_start3A_19] : memref<960000x128xf32, #tpu.memory_space<hbm>> -> memref<200x128xf32, #tpu.memory_space<hbm>>
    tpu.enqueue_dma source(%arg7 : memref<200x128xf32, #tpu.memory_space<vmem>>) target(%dma_start3A_20 : memref<200x128xf32, #tpu.memory_space<hbm>>) target_semaphore(%arg15 : memref<!tpu.dma_semaphore, #tpu.memory_space<semaphore_mem>>)
    %dma_wait3A_21 = arith.constant 9800 : i32
    %dma_wait3A_22 = tpu.memref_slice %arg6[%dma_wait3A_21] : memref<10000xi32, #tpu.memory_space<vmem>> -> memref<200xi32, #tpu.memory_space<vmem>>
    %dma_wait3A_23 = arith.constant 0 : i32
    %dma_wait3A_24 = arith.constant 0 : i32
    %dma_wait3A_25 = tpu.memref_slice %arg5[%dma_wait3A_23, %dma_wait3A_24] : memref<384x128xf32, #tpu.memory_space<vmem_shared>> -> memref<384x128xf32, #tpu.memory_space<vmem_shared>>
    tpu.wait_indirect_dma semaphore(%arg12 : memref<!tpu.dma_semaphore, #tpu.memory_space<semaphore_mem>>) src(%dma_wait3A_25 : memref<384x128xf32, #tpu.memory_space<vmem_shared>>) dst(%arg8 : memref<200x128xf32, #tpu.memory_space<vmem>>)
    %add3A_26 = arith.constant 9800 : i32
    %add3A_27 = arith.addi %add3A_6, %add3A_26 : i32
    %dma_start3A_28 = arith.constant 0 : i32
    %dma_start3A_29 = tpu.memref_slice %arg4[%add3A_27, %dma_start3A_28] : memref<960000x128xf32, #tpu.memory_space<hbm>> -> memref<200x128xf32, #tpu.memory_space<hbm>>
    %dma_start3A_30 = arith.constant 0 : i32
    %dma_start3A_31 = tpu.memref_slice %arg4[%add3A_27, %dma_start3A_30] : memref<960000x128xf32, #tpu.memory_space<hbm>> -> memref<200x128xf32, #tpu.memory_space<hbm>>
    tpu.enqueue_dma source(%arg8 : memref<200x128xf32, #tpu.memory_space<vmem>>) target(%dma_start3A_31 : memref<200x128xf32, #tpu.memory_space<hbm>>) target_semaphore(%arg16 : memref<!tpu.dma_semaphore, #tpu.memory_space<semaphore_mem>>)
    %mul3A_32 = arith.constant 10000 : i32
    %mul3A_33 = arith.muli %add3A, %mul3A_32 : i32
    %add3A_34 = arith.constant 320000 : i32
    %add3A_35 = arith.addi %add3A_34, %mul3A_33 : i32
    "tpu.region"() ({
      %run_scoped3A = tpu.sem_alloc : memref<!tpu.dma_semaphore, #tpu.memory_space<semaphore_mem>>
      %dma_start3A_116 = tpu.memref_slice %arg2[%add3A_35] : memref<960000xi32, #tpu.memory_space<hbm>> -> memref<10000xi32, #tpu.memory_space<hbm>>
      %dma_start3A_117 = tpu.memref_slice %arg2[%add3A_35] : memref<960000xi32, #tpu.memory_space<hbm>> -> memref<10000xi32, #tpu.memory_space<hbm>>
      tpu.enqueue_dma source(%dma_start3A_117 : memref<10000xi32, #tpu.memory_space<hbm>>) target(%arg6 : memref<10000xi32, #tpu.memory_space<vmem>>) target_semaphore(%run_scoped3A : memref<!tpu.dma_semaphore, #tpu.memory_space<semaphore_mem>>)
      %dma_wait3A_118 = tpu.memref_slice %arg2[%add3A_35] : memref<960000xi32, #tpu.memory_space<hbm>> -> memref<10000xi32, #tpu.memory_space<hbm>>
      %dma_wait3A_119 = tpu.memref_slice %arg2[%add3A_35] : memref<960000xi32, #tpu.memory_space<hbm>> -> memref<10000xi32, #tpu.memory_space<hbm>>
      tpu.wait_dma2 semaphore(%run_scoped3A : memref<!tpu.dma_semaphore, #tpu.memory_space<semaphore_mem>>) src(%dma_wait3A_119 : memref<10000xi32, #tpu.memory_space<hbm>>) dst(%arg6 : memref<10000xi32, #tpu.memory_space<vmem>>)
      tpu.yield
    }) : () -> ()
    %scan3A_36 = arith.constant 0 : i32
    %scan3A_37 = arith.constant 0 : i32
    %scan3A_38 = arith.constant 25 : i32
    %scan3A_39 = arith.addi %scan3A_37, %scan3A_38 : i32
    %scan3A_40 = arith.constant 1 : i32
    scf.for %scan3A_116 = %scan3A_37 to %scan3A_39 step %scan3A_40  : i32 {
      %mul3A_117 = arith.constant 2 : i32
      %mul3A_118 = arith.muli %mul3A_117, %scan3A_116 : i32
      %add3A_119 = arith.constant 1 : i32
      %add3A_120 = arith.addi %mul3A_118, %add3A_119 : i32
      %rem3A = arith.constant 2 : i32
      %rem3A_121 = arith.remsi %scan3A_116, %rem3A : i32
      %eq3A_122 = arith.constant 0 : i32
      %eq3A_123 = arith.cmpi eq, %rem3A_121, %eq3A_122 : i32
      %convert_element_type3A_124 = arith.extui %eq3A_123 : i1 to i32
      %cond3A_125 = arith.constant 0 : i32
      %cond3A_126 = arith.cmpi ne, %convert_element_type3A_124, %cond3A_125 : i32
      scf.if %cond3A_126 {
        %mul3A_134 = arith.constant 200 : i32
        %mul3A_135 = arith.muli %mul3A_118, %mul3A_134 : i32
        %add3A_136 = arith.addi %add3A_35, %mul3A_135 : i32
        %dma_wait3A_137 = arith.constant 0 : i32
        %dma_wait3A_138 = tpu.memref_slice %arg4[%add3A_136, %dma_wait3A_137] : memref<960000x128xf32, #tpu.memory_space<hbm>> -> memref<200x128xf32, #tpu.memory_space<hbm>>
        %dma_wait3A_139 = arith.constant 0 : i32
        %dma_wait3A_140 = tpu.memref_slice %arg4[%add3A_136, %dma_wait3A_139] : memref<960000x128xf32, #tpu.memory_space<hbm>> -> memref<200x128xf32, #tpu.memory_space<hbm>>
        tpu.wait_dma2 semaphore(%arg17 : memref<!tpu.dma_semaphore, #tpu.memory_space<semaphore_mem>>) src(%arg9 : memref<200x128xf32, #tpu.memory_space<vmem>>) dst(%dma_wait3A_140 : memref<200x128xf32, #tpu.memory_space<hbm>>)
        %mul3A_141 = arith.constant 200 : i32
        %mul3A_142 = arith.muli %add3A_120, %mul3A_141 : i32
        %add3A_143 = arith.addi %add3A_35, %mul3A_142 : i32
        %dma_wait3A_144 = arith.constant 0 : i32
        %dma_wait3A_145 = tpu.memref_slice %arg4[%add3A_143, %dma_wait3A_144] : memref<960000x128xf32, #tpu.memory_space<hbm>> -> memref<200x128xf32, #tpu.memory_space<hbm>>
        %dma_wait3A_146 = arith.constant 0 : i32
        %dma_wait3A_147 = tpu.memref_slice %arg4[%add3A_143, %dma_wait3A_146] : memref<960000x128xf32, #tpu.memory_space<hbm>> -> memref<200x128xf32, #tpu.memory_space<hbm>>
        tpu.wait_dma2 semaphore(%arg18 : memref<!tpu.dma_semaphore, #tpu.memory_space<semaphore_mem>>) src(%arg10 : memref<200x128xf32, #tpu.memory_space<vmem>>) dst(%dma_wait3A_147 : memref<200x128xf32, #tpu.memory_space<hbm>>)
        %mul3A_148 = arith.constant 200 : i32
        %mul3A_149 = arith.muli %mul3A_118, %mul3A_148 : i32
        %dma_start3A_150 = tpu.memref_slice %arg6[%mul3A_149] : memref<10000xi32, #tpu.memory_space<vmem>> -> memref<200xi32, #tpu.memory_space<vmem>>
        %dma_start3A_151 = arith.constant 0 : i32
        %dma_start3A_152 = arith.constant 0 : i32
        %dma_start3A_153 = tpu.memref_slice %arg5[%dma_start3A_151, %dma_start3A_152] : memref<384x128xf32, #tpu.memory_space<vmem_shared>> -> memref<384x128xf32, #tpu.memory_space<vmem_shared>>
        tpu.enqueue_indirect_dma source(%dma_start3A_153 : memref<384x128xf32, #tpu.memory_space<vmem_shared>>) target(%arg9 : memref<200x128xf32, #tpu.memory_space<vmem>>) offsets(%dma_start3A_150 : memref<200xi32, #tpu.memory_space<vmem>>) semaphore(%arg13 : memref<!tpu.dma_semaphore, #tpu.memory_space<semaphore_mem>>)
        %mul3A_154 = arith.constant 200 : i32
        %mul3A_155 = arith.muli %add3A_120, %mul3A_154 : i32
        %dma_start3A_156 = tpu.memref_slice %arg6[%mul3A_155] : memref<10000xi32, #tpu.memory_space<vmem>> -> memref<200xi32, #tpu.memory_space<vmem>>
        %dma_start3A_157 = arith.constant 0 : i32
        %dma_start3A_158 = arith.constant 0 : i32
        %dma_start3A_159 = tpu.memref_slice %arg5[%dma_start3A_157, %dma_start3A_158] : memref<384x128xf32, #tpu.memory_space<vmem_shared>> -> memref<384x128xf32, #tpu.memory_space<vmem_shared>>
        tpu.enqueue_indirect_dma source(%dma_start3A_159 : memref<384x128xf32, #tpu.memory_space<vmem_shared>>) target(%arg10 : memref<200x128xf32, #tpu.memory_space<vmem>>) offsets(%dma_start3A_156 : memref<200xi32, #tpu.memory_space<vmem>>) semaphore(%arg14 : memref<!tpu.dma_semaphore, #tpu.memory_space<semaphore_mem>>)
        %gt3A = arith.constant 0 : i32
        %gt3A_160 = arith.cmpi sgt, %scan3A_116, %gt3A : i32
        %convert_element_type3A_161 = arith.extui %gt3A_160 : i1 to i32
        %cond3A_162 = arith.constant 0 : i32
        %cond3A_163 = arith.cmpi ne, %convert_element_type3A_161, %cond3A_162 : i32
        scf.if %cond3A_163 {
          %sub3A = arith.constant 2 : i32
          %sub3A_164 = arith.subi %mul3A_118, %sub3A : i32
          %mul3A_165 = arith.constant 200 : i32
          %mul3A_166 = arith.muli %sub3A_164, %mul3A_165 : i32
          %dma_wait3A_167 = tpu.memref_slice %arg6[%mul3A_166] : memref<10000xi32, #tpu.memory_space<vmem>> -> memref<200xi32, #tpu.memory_space<vmem>>
          %dma_wait3A_168 = arith.constant 0 : i32
          %dma_wait3A_169 = arith.constant 0 : i32
          %dma_wait3A_170 = tpu.memref_slice %arg5[%dma_wait3A_168, %dma_wait3A_169] : memref<384x128xf32, #tpu.memory_space<vmem_shared>> -> memref<384x128xf32, #tpu.memory_space<vmem_shared>>
          tpu.wait_indirect_dma semaphore(%arg11 : memref<!tpu.dma_semaphore, #tpu.memory_space<semaphore_mem>>) src(%dma_wait3A_170 : memref<384x128xf32, #tpu.memory_space<vmem_shared>>) dst(%arg7 : memref<200x128xf32, #tpu.memory_space<vmem>>)
          %sub3A_171 = arith.constant 2 : i32
          %sub3A_172 = arith.subi %mul3A_118, %sub3A_171 : i32
          %mul3A_173 = arith.constant 200 : i32
          %mul3A_174 = arith.muli %sub3A_172, %mul3A_173 : i32
          %add3A_175 = arith.addi %add3A_35, %mul3A_174 : i32
          %dma_start3A_176 = arith.constant 0 : i32
          %dma_start3A_177 = tpu.memref_slice %arg4[%add3A_175, %dma_start3A_176] : memref<960000x128xf32, #tpu.memory_space<hbm>> -> memref<200x128xf32, #tpu.memory_space<hbm>>
          %dma_start3A_178 = arith.constant 0 : i32
          %dma_start3A_179 = tpu.memref_slice %arg4[%add3A_175, %dma_start3A_178] : memref<960000x128xf32, #tpu.memory_space<hbm>> -> memref<200x128xf32, #tpu.memory_space<hbm>>
          tpu.enqueue_dma source(%arg7 : memref<200x128xf32, #tpu.memory_space<vmem>>) target(%dma_start3A_179 : memref<200x128xf32, #tpu.memory_space<hbm>>) target_semaphore(%arg15 : memref<!tpu.dma_semaphore, #tpu.memory_space<semaphore_mem>>)
          %sub3A_180 = arith.constant 2 : i32
          %sub3A_181 = arith.subi %add3A_120, %sub3A_180 : i32
          %mul3A_182 = arith.constant 200 : i32
          %mul3A_183 = arith.muli %sub3A_181, %mul3A_182 : i32
          %dma_wait3A_184 = tpu.memref_slice %arg6[%mul3A_183] : memref<10000xi32, #tpu.memory_space<vmem>> -> memref<200xi32, #tpu.memory_space<vmem>>
          %dma_wait3A_185 = arith.constant 0 : i32
          %dma_wait3A_186 = arith.constant 0 : i32
          %dma_wait3A_187 = tpu.memref_slice %arg5[%dma_wait3A_185, %dma_wait3A_186] : memref<384x128xf32, #tpu.memory_space<vmem_shared>> -> memref<384x128xf32, #tpu.memory_space<vmem_shared>>
          tpu.wait_indirect_dma semaphore(%arg12 : memref<!tpu.dma_semaphore, #tpu.memory_space<semaphore_mem>>) src(%dma_wait3A_187 : memref<384x128xf32, #tpu.memory_space<vmem_shared>>) dst(%arg8 : memref<200x128xf32, #tpu.memory_space<vmem>>)
          %sub3A_188 = arith.constant 2 : i32
          %sub3A_189 = arith.subi %add3A_120, %sub3A_188 : i32
          %mul3A_190 = arith.constant 200 : i32
          %mul3A_191 = arith.muli %sub3A_189, %mul3A_190 : i32
          %add3A_192 = arith.addi %add3A_35, %mul3A_191 : i32
          %dma_start3A_193 = arith.constant 0 : i32
          %dma_start3A_194 = tpu.memref_slice %arg4[%add3A_192, %dma_start3A_193] : memref<960000x128xf32, #tpu.memory_space<hbm>> -> memref<200x128xf32, #tpu.memory_space<hbm>>
          %dma_start3A_195 = arith.constant 0 : i32
          %dma_start3A_196 = tpu.memref_slice %arg4[%add3A_192, %dma_start3A_195] : memref<960000x128xf32, #tpu.memory_space<hbm>> -> memref<200x128xf32, #tpu.memory_space<hbm>>
          tpu.enqueue_dma source(%arg8 : memref<200x128xf32, #tpu.memory_space<vmem>>) target(%dma_start3A_196 : memref<200x128xf32, #tpu.memory_space<hbm>>) target_semaphore(%arg16 : memref<!tpu.dma_semaphore, #tpu.memory_space<semaphore_mem>>)
        } else {
        }
      } else {
      }
      %rem3A_127 = arith.constant 2 : i32
      %rem3A_128 = arith.remsi %scan3A_116, %rem3A_127 : i32
      %eq3A_129 = arith.constant 1 : i32
      %eq3A_130 = arith.cmpi eq, %rem3A_128, %eq3A_129 : i32
      %convert_element_type3A_131 = arith.extui %eq3A_130 : i1 to i32
      %cond3A_132 = arith.constant 0 : i32
      %cond3A_133 = arith.cmpi ne, %convert_element_type3A_131, %cond3A_132 : i32
      scf.if %cond3A_133 {
        %mul3A_134 = arith.constant 200 : i32
        %mul3A_135 = arith.muli %mul3A_118, %mul3A_134 : i32
        %add3A_136 = arith.addi %add3A_35, %mul3A_135 : i32
        %dma_wait3A_137 = arith.constant 0 : i32
        %dma_wait3A_138 = tpu.memref_slice %arg4[%add3A_136, %dma_wait3A_137] : memref<960000x128xf32, #tpu.memory_space<hbm>> -> memref<200x128xf32, #tpu.memory_space<hbm>>
        %dma_wait3A_139 = arith.constant 0 : i32
        %dma_wait3A_140 = tpu.memref_slice %arg4[%add3A_136, %dma_wait3A_139] : memref<960000x128xf32, #tpu.memory_space<hbm>> -> memref<200x128xf32, #tpu.memory_space<hbm>>
        tpu.wait_dma2 semaphore(%arg15 : memref<!tpu.dma_semaphore, #tpu.memory_space<semaphore_mem>>) src(%arg7 : memref<200x128xf32, #tpu.memory_space<vmem>>) dst(%dma_wait3A_140 : memref<200x128xf32, #tpu.memory_space<hbm>>)
        %mul3A_141 = arith.constant 200 : i32
        %mul3A_142 = arith.muli %add3A_120, %mul3A_141 : i32
        %add3A_143 = arith.addi %add3A_35, %mul3A_142 : i32
        %dma_wait3A_144 = arith.constant 0 : i32
        %dma_wait3A_145 = tpu.memref_slice %arg4[%add3A_143, %dma_wait3A_144] : memref<960000x128xf32, #tpu.memory_space<hbm>> -> memref<200x128xf32, #tpu.memory_space<hbm>>
        %dma_wait3A_146 = arith.constant 0 : i32
        %dma_wait3A_147 = tpu.memref_slice %arg4[%add3A_143, %dma_wait3A_146] : memref<960000x128xf32, #tpu.memory_space<hbm>> -> memref<200x128xf32, #tpu.memory_space<hbm>>
        tpu.wait_dma2 semaphore(%arg16 : memref<!tpu.dma_semaphore, #tpu.memory_space<semaphore_mem>>) src(%arg8 : memref<200x128xf32, #tpu.memory_space<vmem>>) dst(%dma_wait3A_147 : memref<200x128xf32, #tpu.memory_space<hbm>>)
        %mul3A_148 = arith.constant 200 : i32
        %mul3A_149 = arith.muli %mul3A_118, %mul3A_148 : i32
        %dma_start3A_150 = tpu.memref_slice %arg6[%mul3A_149] : memref<10000xi32, #tpu.memory_space<vmem>> -> memref<200xi32, #tpu.memory_space<vmem>>
        %dma_start3A_151 = arith.constant 0 : i32
        %dma_start3A_152 = arith.constant 0 : i32
        %dma_start3A_153 = tpu.memref_slice %arg5[%dma_start3A_151, %dma_start3A_152] : memref<384x128xf32, #tpu.memory_space<vmem_shared>> -> memref<384x128xf32, #tpu.memory_space<vmem_shared>>
        tpu.enqueue_indirect_dma source(%dma_start3A_153 : memref<384x128xf32, #tpu.memory_space<vmem_shared>>) target(%arg7 : memref<200x128xf32, #tpu.memory_space<vmem>>) offsets(%dma_start3A_150 : memref<200xi32, #tpu.memory_space<vmem>>) semaphore(%arg11 : memref<!tpu.dma_semaphore, #tpu.memory_space<semaphore_mem>>)
        %mul3A_154 = arith.constant 200 : i32
        %mul3A_155 = arith.muli %add3A_120, %mul3A_154 : i32
        %dma_start3A_156 = tpu.memref_slice %arg6[%mul3A_155] : memref<10000xi32, #tpu.memory_space<vmem>> -> memref<200xi32, #tpu.memory_space<vmem>>
        %dma_start3A_157 = arith.constant 0 : i32
        %dma_start3A_158 = arith.constant 0 : i32
        %dma_start3A_159 = tpu.memref_slice %arg5[%dma_start3A_157, %dma_start3A_158] : memref<384x128xf32, #tpu.memory_space<vmem_shared>> -> memref<384x128xf32, #tpu.memory_space<vmem_shared>>
        tpu.enqueue_indirect_dma source(%dma_start3A_159 : memref<384x128xf32, #tpu.memory_space<vmem_shared>>) target(%arg8 : memref<200x128xf32, #tpu.memory_space<vmem>>) offsets(%dma_start3A_156 : memref<200xi32, #tpu.memory_space<vmem>>) semaphore(%arg12 : memref<!tpu.dma_semaphore, #tpu.memory_space<semaphore_mem>>)
        %sub3A = arith.constant 2 : i32
        %sub3A_160 = arith.subi %mul3A_118, %sub3A : i32
        %mul3A_161 = arith.constant 200 : i32
        %mul3A_162 = arith.muli %sub3A_160, %mul3A_161 : i32
        %dma_wait3A_163 = tpu.memref_slice %arg6[%mul3A_162] : memref<10000xi32, #tpu.memory_space<vmem>> -> memref<200xi32, #tpu.memory_space<vmem>>
        %dma_wait3A_164 = arith.constant 0 : i32
        %dma_wait3A_165 = arith.constant 0 : i32
        %dma_wait3A_166 = tpu.memref_slice %arg5[%dma_wait3A_164, %dma_wait3A_165] : memref<384x128xf32, #tpu.memory_space<vmem_shared>> -> memref<384x128xf32, #tpu.memory_space<vmem_shared>>
        tpu.wait_indirect_dma semaphore(%arg13 : memref<!tpu.dma_semaphore, #tpu.memory_space<semaphore_mem>>) src(%dma_wait3A_166 : memref<384x128xf32, #tpu.memory_space<vmem_shared>>) dst(%arg9 : memref<200x128xf32, #tpu.memory_space<vmem>>)
        %sub3A_167 = arith.constant 2 : i32
        %sub3A_168 = arith.subi %mul3A_118, %sub3A_167 : i32
        %mul3A_169 = arith.constant 200 : i32
        %mul3A_170 = arith.muli %sub3A_168, %mul3A_169 : i32
        %add3A_171 = arith.addi %add3A_35, %mul3A_170 : i32
        %dma_start3A_172 = arith.constant 0 : i32
        %dma_start3A_173 = tpu.memref_slice %arg4[%add3A_171, %dma_start3A_172] : memref<960000x128xf32, #tpu.memory_space<hbm>> -> memref<200x128xf32, #tpu.memory_space<hbm>>
        %dma_start3A_174 = arith.constant 0 : i32
        %dma_start3A_175 = tpu.memref_slice %arg4[%add3A_171, %dma_start3A_174] : memref<960000x128xf32, #tpu.memory_space<hbm>> -> memref<200x128xf32, #tpu.memory_space<hbm>>
        tpu.enqueue_dma source(%arg9 : memref<200x128xf32, #tpu.memory_space<vmem>>) target(%dma_start3A_175 : memref<200x128xf32, #tpu.memory_space<hbm>>) target_semaphore(%arg17 : memref<!tpu.dma_semaphore, #tpu.memory_space<semaphore_mem>>)
        %sub3A_176 = arith.constant 2 : i32
        %sub3A_177 = arith.subi %add3A_120, %sub3A_176 : i32
        %mul3A_178 = arith.constant 200 : i32
        %mul3A_179 = arith.muli %sub3A_177, %mul3A_178 : i32
        %dma_wait3A_180 = tpu.memref_slice %arg6[%mul3A_179] : memref<10000xi32, #tpu.memory_space<vmem>> -> memref<200xi32, #tpu.memory_space<vmem>>
        %dma_wait3A_181 = arith.constant 0 : i32
        %dma_wait3A_182 = arith.constant 0 : i32
        %dma_wait3A_183 = tpu.memref_slice %arg5[%dma_wait3A_181, %dma_wait3A_182] : memref<384x128xf32, #tpu.memory_space<vmem_shared>> -> memref<384x128xf32, #tpu.memory_space<vmem_shared>>
        tpu.wait_indirect_dma semaphore(%arg14 : memref<!tpu.dma_semaphore, #tpu.memory_space<semaphore_mem>>) src(%dma_wait3A_183 : memref<384x128xf32, #tpu.memory_space<vmem_shared>>) dst(%arg10 : memref<200x128xf32, #tpu.memory_space<vmem>>)
        %sub3A_184 = arith.constant 2 : i32
        %sub3A_185 = arith.subi %add3A_120, %sub3A_184 : i32
        %mul3A_186 = arith.constant 200 : i32
        %mul3A_187 = arith.muli %sub3A_185, %mul3A_186 : i32
        %add3A_188 = arith.addi %add3A_35, %mul3A_187 : i32
        %dma_start3A_189 = arith.constant 0 : i32
        %dma_start3A_190 = tpu.memref_slice %arg4[%add3A_188, %dma_start3A_189] : memref<960000x128xf32, #tpu.memory_space<hbm>> -> memref<200x128xf32, #tpu.memory_space<hbm>>
        %dma_start3A_191 = arith.constant 0 : i32
        %dma_start3A_192 = tpu.memref_slice %arg4[%add3A_188, %dma_start3A_191] : memref<960000x128xf32, #tpu.memory_space<hbm>> -> memref<200x128xf32, #tpu.memory_space<hbm>>
        tpu.enqueue_dma source(%arg10 : memref<200x128xf32, #tpu.memory_space<vmem>>) target(%dma_start3A_192 : memref<200x128xf32, #tpu.memory_space<hbm>>) target_semaphore(%arg18 : memref<!tpu.dma_semaphore, #tpu.memory_space<semaphore_mem>>)
      } else {
      }
    }
    %scan3A_41 = arith.constant 25 : i32
    %dma_wait3A_42 = arith.constant 9600 : i32
    %dma_wait3A_43 = tpu.memref_slice %arg6[%dma_wait3A_42] : memref<10000xi32, #tpu.memory_space<vmem>> -> memref<200xi32, #tpu.memory_space<vmem>>
    %dma_wait3A_44 = arith.constant 0 : i32
    %dma_wait3A_45 = arith.constant 0 : i32
    %dma_wait3A_46 = tpu.memref_slice %arg5[%dma_wait3A_44, %dma_wait3A_45] : memref<384x128xf32, #tpu.memory_space<vmem_shared>> -> memref<384x128xf32, #tpu.memory_space<vmem_shared>>
    tpu.wait_indirect_dma semaphore(%arg13 : memref<!tpu.dma_semaphore, #tpu.memory_space<semaphore_mem>>) src(%dma_wait3A_46 : memref<384x128xf32, #tpu.memory_space<vmem_shared>>) dst(%arg9 : memref<200x128xf32, #tpu.memory_space<vmem>>)
    %add3A_47 = arith.constant 9600 : i32
    %add3A_48 = arith.addi %add3A_35, %add3A_47 : i32
    %dma_start3A_49 = arith.constant 0 : i32
    %dma_start3A_50 = tpu.memref_slice %arg4[%add3A_48, %dma_start3A_49] : memref<960000x128xf32, #tpu.memory_space<hbm>> -> memref<200x128xf32, #tpu.memory_space<hbm>>
    %dma_start3A_51 = arith.constant 0 : i32
    %dma_start3A_52 = tpu.memref_slice %arg4[%add3A_48, %dma_start3A_51] : memref<960000x128xf32, #tpu.memory_space<hbm>> -> memref<200x128xf32, #tpu.memory_space<hbm>>
    tpu.enqueue_dma source(%arg9 : memref<200x128xf32, #tpu.memory_space<vmem>>) target(%dma_start3A_52 : memref<200x128xf32, #tpu.memory_space<hbm>>) target_semaphore(%arg17 : memref<!tpu.dma_semaphore, #tpu.memory_space<semaphore_mem>>)
    %dma_wait3A_53 = arith.constant 9800 : i32
    %dma_wait3A_54 = tpu.memref_slice %arg6[%dma_wait3A_53] : memref<10000xi32, #tpu.memory_space<vmem>> -> memref<200xi32, #tpu.memory_space<vmem>>
    %dma_wait3A_55 = arith.constant 0 : i32
    %dma_wait3A_56 = arith.constant 0 : i32
    %dma_wait3A_57 = tpu.memref_slice %arg5[%dma_wait3A_55, %dma_wait3A_56] : memref<384x128xf32, #tpu.memory_space<vmem_shared>> -> memref<384x128xf32, #tpu.memory_space<vmem_shared>>
    tpu.wait_indirect_dma semaphore(%arg14 : memref<!tpu.dma_semaphore, #tpu.memory_space<semaphore_mem>>) src(%dma_wait3A_57 : memref<384x128xf32, #tpu.memory_space<vmem_shared>>) dst(%arg10 : memref<200x128xf32, #tpu.memory_space<vmem>>)
    %add3A_58 = arith.constant 9800 : i32
    %add3A_59 = arith.addi %add3A_35, %add3A_58 : i32
    %dma_start3A_60 = arith.constant 0 : i32
    %dma_start3A_61 = tpu.memref_slice %arg4[%add3A_59, %dma_start3A_60] : memref<960000x128xf32, #tpu.memory_space<hbm>> -> memref<200x128xf32, #tpu.memory_space<hbm>>
    %dma_start3A_62 = arith.constant 0 : i32
    %dma_start3A_63 = tpu.memref_slice %arg4[%add3A_59, %dma_start3A_62] : memref<960000x128xf32, #tpu.memory_space<hbm>> -> memref<200x128xf32, #tpu.memory_space<hbm>>
    tpu.enqueue_dma source(%arg10 : memref<200x128xf32, #tpu.memory_space<vmem>>) target(%dma_start3A_63 : memref<200x128xf32, #tpu.memory_space<hbm>>) target_semaphore(%arg18 : memref<!tpu.dma_semaphore, #tpu.memory_space<semaphore_mem>>)
    %mul3A_64 = arith.constant 10000 : i32
    %mul3A_65 = arith.muli %add3A, %mul3A_64 : i32
    %add3A_66 = arith.constant 640000 : i32
    %add3A_67 = arith.addi %add3A_66, %mul3A_65 : i32
    "tpu.region"() ({
      %run_scoped3A = tpu.sem_alloc : memref<!tpu.dma_semaphore, #tpu.memory_space<semaphore_mem>>
      %dma_start3A_116 = tpu.memref_slice %arg2[%add3A_67] : memref<960000xi32, #tpu.memory_space<hbm>> -> memref<10000xi32, #tpu.memory_space<hbm>>
      %dma_start3A_117 = tpu.memref_slice %arg2[%add3A_67] : memref<960000xi32, #tpu.memory_space<hbm>> -> memref<10000xi32, #tpu.memory_space<hbm>>
      tpu.enqueue_dma source(%dma_start3A_117 : memref<10000xi32, #tpu.memory_space<hbm>>) target(%arg6 : memref<10000xi32, #tpu.memory_space<vmem>>) target_semaphore(%run_scoped3A : memref<!tpu.dma_semaphore, #tpu.memory_space<semaphore_mem>>)
      %dma_wait3A_118 = tpu.memref_slice %arg2[%add3A_67] : memref<960000xi32, #tpu.memory_space<hbm>> -> memref<10000xi32, #tpu.memory_space<hbm>>
      %dma_wait3A_119 = tpu.memref_slice %arg2[%add3A_67] : memref<960000xi32, #tpu.memory_space<hbm>> -> memref<10000xi32, #tpu.memory_space<hbm>>
      tpu.wait_dma2 semaphore(%run_scoped3A : memref<!tpu.dma_semaphore, #tpu.memory_space<semaphore_mem>>) src(%dma_wait3A_119 : memref<10000xi32, #tpu.memory_space<hbm>>) dst(%arg6 : memref<10000xi32, #tpu.memory_space<vmem>>)
      tpu.yield
    }) : () -> ()
    %scan3A_68 = arith.constant 0 : i32
    %scan3A_69 = arith.constant 0 : i32
    %scan3A_70 = arith.constant 25 : i32
    %scan3A_71 = arith.addi %scan3A_69, %scan3A_70 : i32
    %scan3A_72 = arith.constant 1 : i32
    scf.for %scan3A_116 = %scan3A_69 to %scan3A_71 step %scan3A_72  : i32 {
      %mul3A_117 = arith.constant 2 : i32
      %mul3A_118 = arith.muli %mul3A_117, %scan3A_116 : i32
      %add3A_119 = arith.constant 1 : i32
      %add3A_120 = arith.addi %mul3A_118, %add3A_119 : i32
      %rem3A = arith.constant 2 : i32
      %rem3A_121 = arith.remsi %scan3A_116, %rem3A : i32
      %eq3A_122 = arith.constant 0 : i32
      %eq3A_123 = arith.cmpi eq, %rem3A_121, %eq3A_122 : i32
      %convert_element_type3A_124 = arith.extui %eq3A_123 : i1 to i32
      %cond3A_125 = arith.constant 0 : i32
      %cond3A_126 = arith.cmpi ne, %convert_element_type3A_124, %cond3A_125 : i32
      scf.if %cond3A_126 {
        %mul3A_134 = arith.constant 200 : i32
        %mul3A_135 = arith.muli %mul3A_118, %mul3A_134 : i32
        %add3A_136 = arith.addi %add3A_67, %mul3A_135 : i32
        %dma_wait3A_137 = arith.constant 0 : i32
        %dma_wait3A_138 = tpu.memref_slice %arg4[%add3A_136, %dma_wait3A_137] : memref<960000x128xf32, #tpu.memory_space<hbm>> -> memref<200x128xf32, #tpu.memory_space<hbm>>
        %dma_wait3A_139 = arith.constant 0 : i32
        %dma_wait3A_140 = tpu.memref_slice %arg4[%add3A_136, %dma_wait3A_139] : memref<960000x128xf32, #tpu.memory_space<hbm>> -> memref<200x128xf32, #tpu.memory_space<hbm>>
        tpu.wait_dma2 semaphore(%arg15 : memref<!tpu.dma_semaphore, #tpu.memory_space<semaphore_mem>>) src(%arg7 : memref<200x128xf32, #tpu.memory_space<vmem>>) dst(%dma_wait3A_140 : memref<200x128xf32, #tpu.memory_space<hbm>>)
        %mul3A_141 = arith.constant 200 : i32
        %mul3A_142 = arith.muli %add3A_120, %mul3A_141 : i32
        %add3A_143 = arith.addi %add3A_67, %mul3A_142 : i32
        %dma_wait3A_144 = arith.constant 0 : i32
        %dma_wait3A_145 = tpu.memref_slice %arg4[%add3A_143, %dma_wait3A_144] : memref<960000x128xf32, #tpu.memory_space<hbm>> -> memref<200x128xf32, #tpu.memory_space<hbm>>
        %dma_wait3A_146 = arith.constant 0 : i32
        %dma_wait3A_147 = tpu.memref_slice %arg4[%add3A_143, %dma_wait3A_146] : memref<960000x128xf32, #tpu.memory_space<hbm>> -> memref<200x128xf32, #tpu.memory_space<hbm>>
        tpu.wait_dma2 semaphore(%arg16 : memref<!tpu.dma_semaphore, #tpu.memory_space<semaphore_mem>>) src(%arg8 : memref<200x128xf32, #tpu.memory_space<vmem>>) dst(%dma_wait3A_147 : memref<200x128xf32, #tpu.memory_space<hbm>>)
        %mul3A_148 = arith.constant 200 : i32
        %mul3A_149 = arith.muli %mul3A_118, %mul3A_148 : i32
        %dma_start3A_150 = tpu.memref_slice %arg6[%mul3A_149] : memref<10000xi32, #tpu.memory_space<vmem>> -> memref<200xi32, #tpu.memory_space<vmem>>
        %dma_start3A_151 = arith.constant 0 : i32
        %dma_start3A_152 = arith.constant 0 : i32
        %dma_start3A_153 = tpu.memref_slice %arg5[%dma_start3A_151, %dma_start3A_152] : memref<384x128xf32, #tpu.memory_space<vmem_shared>> -> memref<384x128xf32, #tpu.memory_space<vmem_shared>>
        tpu.enqueue_indirect_dma source(%dma_start3A_153 : memref<384x128xf32, #tpu.memory_space<vmem_shared>>) target(%arg7 : memref<200x128xf32, #tpu.memory_space<vmem>>) offsets(%dma_start3A_150 : memref<200xi32, #tpu.memory_space<vmem>>) semaphore(%arg11 : memref<!tpu.dma_semaphore, #tpu.memory_space<semaphore_mem>>)
        %mul3A_154 = arith.constant 200 : i32
        %mul3A_155 = arith.muli %add3A_120, %mul3A_154 : i32
        %dma_start3A_156 = tpu.memref_slice %arg6[%mul3A_155] : memref<10000xi32, #tpu.memory_space<vmem>> -> memref<200xi32, #tpu.memory_space<vmem>>
        %dma_start3A_157 = arith.constant 0 : i32
        %dma_start3A_158 = arith.constant 0 : i32
        %dma_start3A_159 = tpu.memref_slice %arg5[%dma_start3A_157, %dma_start3A_158] : memref<384x128xf32, #tpu.memory_space<vmem_shared>> -> memref<384x128xf32, #tpu.memory_space<vmem_shared>>
        tpu.enqueue_indirect_dma source(%dma_start3A_159 : memref<384x128xf32, #tpu.memory_space<vmem_shared>>) target(%arg8 : memref<200x128xf32, #tpu.memory_space<vmem>>) offsets(%dma_start3A_156 : memref<200xi32, #tpu.memory_space<vmem>>) semaphore(%arg12 : memref<!tpu.dma_semaphore, #tpu.memory_space<semaphore_mem>>)
        %gt3A = arith.constant 0 : i32
        %gt3A_160 = arith.cmpi sgt, %scan3A_116, %gt3A : i32
        %convert_element_type3A_161 = arith.extui %gt3A_160 : i1 to i32
        %cond3A_162 = arith.constant 0 : i32
        %cond3A_163 = arith.cmpi ne, %convert_element_type3A_161, %cond3A_162 : i32
        scf.if %cond3A_163 {
          %sub3A = arith.constant 2 : i32
          %sub3A_164 = arith.subi %mul3A_118, %sub3A : i32
          %mul3A_165 = arith.constant 200 : i32
          %mul3A_166 = arith.muli %sub3A_164, %mul3A_165 : i32
          %dma_wait3A_167 = tpu.memref_slice %arg6[%mul3A_166] : memref<10000xi32, #tpu.memory_space<vmem>> -> memref<200xi32, #tpu.memory_space<vmem>>
          %dma_wait3A_168 = arith.constant 0 : i32
          %dma_wait3A_169 = arith.constant 0 : i32
          %dma_wait3A_170 = tpu.memref_slice %arg5[%dma_wait3A_168, %dma_wait3A_169] : memref<384x128xf32, #tpu.memory_space<vmem_shared>> -> memref<384x128xf32, #tpu.memory_space<vmem_shared>>
          tpu.wait_indirect_dma semaphore(%arg13 : memref<!tpu.dma_semaphore, #tpu.memory_space<semaphore_mem>>) src(%dma_wait3A_170 : memref<384x128xf32, #tpu.memory_space<vmem_shared>>) dst(%arg9 : memref<200x128xf32, #tpu.memory_space<vmem>>)
          %sub3A_171 = arith.constant 2 : i32
          %sub3A_172 = arith.subi %mul3A_118, %sub3A_171 : i32
          %mul3A_173 = arith.constant 200 : i32
          %mul3A_174 = arith.muli %sub3A_172, %mul3A_173 : i32
          %add3A_175 = arith.addi %add3A_67, %mul3A_174 : i32
          %dma_start3A_176 = arith.constant 0 : i32
          %dma_start3A_177 = tpu.memref_slice %arg4[%add3A_175, %dma_start3A_176] : memref<960000x128xf32, #tpu.memory_space<hbm>> -> memref<200x128xf32, #tpu.memory_space<hbm>>
          %dma_start3A_178 = arith.constant 0 : i32
          %dma_start3A_179 = tpu.memref_slice %arg4[%add3A_175, %dma_start3A_178] : memref<960000x128xf32, #tpu.memory_space<hbm>> -> memref<200x128xf32, #tpu.memory_space<hbm>>
          tpu.enqueue_dma source(%arg9 : memref<200x128xf32, #tpu.memory_space<vmem>>) target(%dma_start3A_179 : memref<200x128xf32, #tpu.memory_space<hbm>>) target_semaphore(%arg17 : memref<!tpu.dma_semaphore, #tpu.memory_space<semaphore_mem>>)
          %sub3A_180 = arith.constant 2 : i32
          %sub3A_181 = arith.subi %add3A_120, %sub3A_180 : i32
          %mul3A_182 = arith.constant 200 : i32
          %mul3A_183 = arith.muli %sub3A_181, %mul3A_182 : i32
          %dma_wait3A_184 = tpu.memref_slice %arg6[%mul3A_183] : memref<10000xi32, #tpu.memory_space<vmem>> -> memref<200xi32, #tpu.memory_space<vmem>>
          %dma_wait3A_185 = arith.constant 0 : i32
          %dma_wait3A_186 = arith.constant 0 : i32
          %dma_wait3A_187 = tpu.memref_slice %arg5[%dma_wait3A_185, %dma_wait3A_186] : memref<384x128xf32, #tpu.memory_space<vmem_shared>> -> memref<384x128xf32, #tpu.memory_space<vmem_shared>>
          tpu.wait_indirect_dma semaphore(%arg14 : memref<!tpu.dma_semaphore, #tpu.memory_space<semaphore_mem>>) src(%dma_wait3A_187 : memref<384x128xf32, #tpu.memory_space<vmem_shared>>) dst(%arg10 : memref<200x128xf32, #tpu.memory_space<vmem>>)
          %sub3A_188 = arith.constant 2 : i32
          %sub3A_189 = arith.subi %add3A_120, %sub3A_188 : i32
          %mul3A_190 = arith.constant 200 : i32
          %mul3A_191 = arith.muli %sub3A_189, %mul3A_190 : i32
          %add3A_192 = arith.addi %add3A_67, %mul3A_191 : i32
          %dma_start3A_193 = arith.constant 0 : i32
          %dma_start3A_194 = tpu.memref_slice %arg4[%add3A_192, %dma_start3A_193] : memref<960000x128xf32, #tpu.memory_space<hbm>> -> memref<200x128xf32, #tpu.memory_space<hbm>>
          %dma_start3A_195 = arith.constant 0 : i32
          %dma_start3A_196 = tpu.memref_slice %arg4[%add3A_192, %dma_start3A_195] : memref<960000x128xf32, #tpu.memory_space<hbm>> -> memref<200x128xf32, #tpu.memory_space<hbm>>
          tpu.enqueue_dma source(%arg10 : memref<200x128xf32, #tpu.memory_space<vmem>>) target(%dma_start3A_196 : memref<200x128xf32, #tpu.memory_space<hbm>>) target_semaphore(%arg18 : memref<!tpu.dma_semaphore, #tpu.memory_space<semaphore_mem>>)
        } else {
        }
      } else {
      }
      %rem3A_127 = arith.constant 2 : i32
      %rem3A_128 = arith.remsi %scan3A_116, %rem3A_127 : i32
      %eq3A_129 = arith.constant 1 : i32
      %eq3A_130 = arith.cmpi eq, %rem3A_128, %eq3A_129 : i32
      %convert_element_type3A_131 = arith.extui %eq3A_130 : i1 to i32
      %cond3A_132 = arith.constant 0 : i32
      %cond3A_133 = arith.cmpi ne, %convert_element_type3A_131, %cond3A_132 : i32
      scf.if %cond3A_133 {
        %mul3A_134 = arith.constant 200 : i32
        %mul3A_135 = arith.muli %mul3A_118, %mul3A_134 : i32
        %add3A_136 = arith.addi %add3A_67, %mul3A_135 : i32
        %dma_wait3A_137 = arith.constant 0 : i32
        %dma_wait3A_138 = tpu.memref_slice %arg4[%add3A_136, %dma_wait3A_137] : memref<960000x128xf32, #tpu.memory_space<hbm>> -> memref<200x128xf32, #tpu.memory_space<hbm>>
        %dma_wait3A_139 = arith.constant 0 : i32
        %dma_wait3A_140 = tpu.memref_slice %arg4[%add3A_136, %dma_wait3A_139] : memref<960000x128xf32, #tpu.memory_space<hbm>> -> memref<200x128xf32, #tpu.memory_space<hbm>>
        tpu.wait_dma2 semaphore(%arg17 : memref<!tpu.dma_semaphore, #tpu.memory_space<semaphore_mem>>) src(%arg9 : memref<200x128xf32, #tpu.memory_space<vmem>>) dst(%dma_wait3A_140 : memref<200x128xf32, #tpu.memory_space<hbm>>)
        %mul3A_141 = arith.constant 200 : i32
        %mul3A_142 = arith.muli %add3A_120, %mul3A_141 : i32
        %add3A_143 = arith.addi %add3A_67, %mul3A_142 : i32
        %dma_wait3A_144 = arith.constant 0 : i32
        %dma_wait3A_145 = tpu.memref_slice %arg4[%add3A_143, %dma_wait3A_144] : memref<960000x128xf32, #tpu.memory_space<hbm>> -> memref<200x128xf32, #tpu.memory_space<hbm>>
        %dma_wait3A_146 = arith.constant 0 : i32
        %dma_wait3A_147 = tpu.memref_slice %arg4[%add3A_143, %dma_wait3A_146] : memref<960000x128xf32, #tpu.memory_space<hbm>> -> memref<200x128xf32, #tpu.memory_space<hbm>>
        tpu.wait_dma2 semaphore(%arg18 : memref<!tpu.dma_semaphore, #tpu.memory_space<semaphore_mem>>) src(%arg10 : memref<200x128xf32, #tpu.memory_space<vmem>>) dst(%dma_wait3A_147 : memref<200x128xf32, #tpu.memory_space<hbm>>)
        %mul3A_148 = arith.constant 200 : i32
        %mul3A_149 = arith.muli %mul3A_118, %mul3A_148 : i32
        %dma_start3A_150 = tpu.memref_slice %arg6[%mul3A_149] : memref<10000xi32, #tpu.memory_space<vmem>> -> memref<200xi32, #tpu.memory_space<vmem>>
        %dma_start3A_151 = arith.constant 0 : i32
        %dma_start3A_152 = arith.constant 0 : i32
        %dma_start3A_153 = tpu.memref_slice %arg5[%dma_start3A_151, %dma_start3A_152] : memref<384x128xf32, #tpu.memory_space<vmem_shared>> -> memref<384x128xf32, #tpu.memory_space<vmem_shared>>
        tpu.enqueue_indirect_dma source(%dma_start3A_153 : memref<384x128xf32, #tpu.memory_space<vmem_shared>>) target(%arg9 : memref<200x128xf32, #tpu.memory_space<vmem>>) offsets(%dma_start3A_150 : memref<200xi32, #tpu.memory_space<vmem>>) semaphore(%arg13 : memref<!tpu.dma_semaphore, #tpu.memory_space<semaphore_mem>>)
        %mul3A_154 = arith.constant 200 : i32
        %mul3A_155 = arith.muli %add3A_120, %mul3A_154 : i32
        %dma_start3A_156 = tpu.memref_slice %arg6[%mul3A_155] : memref<10000xi32, #tpu.memory_space<vmem>> -> memref<200xi32, #tpu.memory_space<vmem>>
        %dma_start3A_157 = arith.constant 0 : i32
        %dma_start3A_158 = arith.constant 0 : i32
        %dma_start3A_159 = tpu.memref_slice %arg5[%dma_start3A_157, %dma_start3A_158] : memref<384x128xf32, #tpu.memory_space<vmem_shared>> -> memref<384x128xf32, #tpu.memory_space<vmem_shared>>
        tpu.enqueue_indirect_dma source(%dma_start3A_159 : memref<384x128xf32, #tpu.memory_space<vmem_shared>>) target(%arg10 : memref<200x128xf32, #tpu.memory_space<vmem>>) offsets(%dma_start3A_156 : memref<200xi32, #tpu.memory_space<vmem>>) semaphore(%arg14 : memref<!tpu.dma_semaphore, #tpu.memory_space<semaphore_mem>>)
        %sub3A = arith.constant 2 : i32
        %sub3A_160 = arith.subi %mul3A_118, %sub3A : i32
        %mul3A_161 = arith.constant 200 : i32
        %mul3A_162 = arith.muli %sub3A_160, %mul3A_161 : i32
        %dma_wait3A_163 = tpu.memref_slice %arg6[%mul3A_162] : memref<10000xi32, #tpu.memory_space<vmem>> -> memref<200xi32, #tpu.memory_space<vmem>>
        %dma_wait3A_164 = arith.constant 0 : i32
        %dma_wait3A_165 = arith.constant 0 : i32
        %dma_wait3A_166 = tpu.memref_slice %arg5[%dma_wait3A_164, %dma_wait3A_165] : memref<384x128xf32, #tpu.memory_space<vmem_shared>> -> memref<384x128xf32, #tpu.memory_space<vmem_shared>>
        tpu.wait_indirect_dma semaphore(%arg11 : memref<!tpu.dma_semaphore, #tpu.memory_space<semaphore_mem>>) src(%dma_wait3A_166 : memref<384x128xf32, #tpu.memory_space<vmem_shared>>) dst(%arg7 : memref<200x128xf32, #tpu.memory_space<vmem>>)
        %sub3A_167 = arith.constant 2 : i32
        %sub3A_168 = arith.subi %mul3A_118, %sub3A_167 : i32
        %mul3A_169 = arith.constant 200 : i32
        %mul3A_170 = arith.muli %sub3A_168, %mul3A_169 : i32
        %add3A_171 = arith.addi %add3A_67, %mul3A_170 : i32
        %dma_start3A_172 = arith.constant 0 : i32
        %dma_start3A_173 = tpu.memref_slice %arg4[%add3A_171, %dma_start3A_172] : memref<960000x128xf32, #tpu.memory_space<hbm>> -> memref<200x128xf32, #tpu.memory_space<hbm>>
        %dma_start3A_174 = arith.constant 0 : i32
        %dma_start3A_175 = tpu.memref_slice %arg4[%add3A_171, %dma_start3A_174] : memref<960000x128xf32, #tpu.memory_space<hbm>> -> memref<200x128xf32, #tpu.memory_space<hbm>>
        tpu.enqueue_dma source(%arg7 : memref<200x128xf32, #tpu.memory_space<vmem>>) target(%dma_start3A_175 : memref<200x128xf32, #tpu.memory_space<hbm>>) target_semaphore(%arg15 : memref<!tpu.dma_semaphore, #tpu.memory_space<semaphore_mem>>)
        %sub3A_176 = arith.constant 2 : i32
        %sub3A_177 = arith.subi %add3A_120, %sub3A_176 : i32
        %mul3A_178 = arith.constant 200 : i32
        %mul3A_179 = arith.muli %sub3A_177, %mul3A_178 : i32
        %dma_wait3A_180 = tpu.memref_slice %arg6[%mul3A_179] : memref<10000xi32, #tpu.memory_space<vmem>> -> memref<200xi32, #tpu.memory_space<vmem>>
        %dma_wait3A_181 = arith.constant 0 : i32
        %dma_wait3A_182 = arith.constant 0 : i32
        %dma_wait3A_183 = tpu.memref_slice %arg5[%dma_wait3A_181, %dma_wait3A_182] : memref<384x128xf32, #tpu.memory_space<vmem_shared>> -> memref<384x128xf32, #tpu.memory_space<vmem_shared>>
        tpu.wait_indirect_dma semaphore(%arg12 : memref<!tpu.dma_semaphore, #tpu.memory_space<semaphore_mem>>) src(%dma_wait3A_183 : memref<384x128xf32, #tpu.memory_space<vmem_shared>>) dst(%arg8 : memref<200x128xf32, #tpu.memory_space<vmem>>)
        %sub3A_184 = arith.constant 2 : i32
        %sub3A_185 = arith.subi %add3A_120, %sub3A_184 : i32
        %mul3A_186 = arith.constant 200 : i32
        %mul3A_187 = arith.muli %sub3A_185, %mul3A_186 : i32
        %add3A_188 = arith.addi %add3A_67, %mul3A_187 : i32
        %dma_start3A_189 = arith.constant 0 : i32
        %dma_start3A_190 = tpu.memref_slice %arg4[%add3A_188, %dma_start3A_189] : memref<960000x128xf32, #tpu.memory_space<hbm>> -> memref<200x128xf32, #tpu.memory_space<hbm>>
        %dma_start3A_191 = arith.constant 0 : i32
        %dma_start3A_192 = tpu.memref_slice %arg4[%add3A_188, %dma_start3A_191] : memref<960000x128xf32, #tpu.memory_space<hbm>> -> memref<200x128xf32, #tpu.memory_space<hbm>>
        tpu.enqueue_dma source(%arg8 : memref<200x128xf32, #tpu.memory_space<vmem>>) target(%dma_start3A_192 : memref<200x128xf32, #tpu.memory_space<hbm>>) target_semaphore(%arg16 : memref<!tpu.dma_semaphore, #tpu.memory_space<semaphore_mem>>)
      } else {
      }
    }
    %scan3A_73 = arith.constant 25 : i32
    %dma_wait3A_74 = arith.constant 9600 : i32
    %dma_wait3A_75 = tpu.memref_slice %arg6[%dma_wait3A_74] : memref<10000xi32, #tpu.memory_space<vmem>> -> memref<200xi32, #tpu.memory_space<vmem>>
    %dma_wait3A_76 = arith.constant 0 : i32
    %dma_wait3A_77 = arith.constant 0 : i32
    %dma_wait3A_78 = tpu.memref_slice %arg5[%dma_wait3A_76, %dma_wait3A_77] : memref<384x128xf32, #tpu.memory_space<vmem_shared>> -> memref<384x128xf32, #tpu.memory_space<vmem_shared>>
    tpu.wait_indirect_dma semaphore(%arg11 : memref<!tpu.dma_semaphore, #tpu.memory_space<semaphore_mem>>) src(%dma_wait3A_78 : memref<384x128xf32, #tpu.memory_space<vmem_shared>>) dst(%arg7 : memref<200x128xf32, #tpu.memory_space<vmem>>)
    %add3A_79 = arith.constant 9600 : i32
    %add3A_80 = arith.addi %add3A_67, %add3A_79 : i32
    %dma_start3A_81 = arith.constant 0 : i32
    %dma_start3A_82 = tpu.memref_slice %arg4[%add3A_80, %dma_start3A_81] : memref<960000x128xf32, #tpu.memory_space<hbm>> -> memref<200x128xf32, #tpu.memory_space<hbm>>
    %dma_start3A_83 = arith.constant 0 : i32
    %dma_start3A_84 = tpu.memref_slice %arg4[%add3A_80, %dma_start3A_83] : memref<960000x128xf32, #tpu.memory_space<hbm>> -> memref<200x128xf32, #tpu.memory_space<hbm>>
    tpu.enqueue_dma source(%arg7 : memref<200x128xf32, #tpu.memory_space<vmem>>) target(%dma_start3A_84 : memref<200x128xf32, #tpu.memory_space<hbm>>) target_semaphore(%arg15 : memref<!tpu.dma_semaphore, #tpu.memory_space<semaphore_mem>>)
    %dma_wait3A_85 = arith.constant 9800 : i32
    %dma_wait3A_86 = tpu.memref_slice %arg6[%dma_wait3A_85] : memref<10000xi32, #tpu.memory_space<vmem>> -> memref<200xi32, #tpu.memory_space<vmem>>
    %dma_wait3A_87 = arith.constant 0 : i32
    %dma_wait3A_88 = arith.constant 0 : i32
    %dma_wait3A_89 = tpu.memref_slice %arg5[%dma_wait3A_87, %dma_wait3A_88] : memref<384x128xf32, #tpu.memory_space<vmem_shared>> -> memref<384x128xf32, #tpu.memory_space<vmem_shared>>
    tpu.wait_indirect_dma semaphore(%arg12 : memref<!tpu.dma_semaphore, #tpu.memory_space<semaphore_mem>>) src(%dma_wait3A_89 : memref<384x128xf32, #tpu.memory_space<vmem_shared>>) dst(%arg8 : memref<200x128xf32, #tpu.memory_space<vmem>>)
    %add3A_90 = arith.constant 9800 : i32
    %add3A_91 = arith.addi %add3A_67, %add3A_90 : i32
    %dma_start3A_92 = arith.constant 0 : i32
    %dma_start3A_93 = tpu.memref_slice %arg4[%add3A_91, %dma_start3A_92] : memref<960000x128xf32, #tpu.memory_space<hbm>> -> memref<200x128xf32, #tpu.memory_space<hbm>>
    %dma_start3A_94 = arith.constant 0 : i32
    %dma_start3A_95 = tpu.memref_slice %arg4[%add3A_91, %dma_start3A_94] : memref<960000x128xf32, #tpu.memory_space<hbm>> -> memref<200x128xf32, #tpu.memory_space<hbm>>
    tpu.enqueue_dma source(%arg8 : memref<200x128xf32, #tpu.memory_space<vmem>>) target(%dma_start3A_95 : memref<200x128xf32, #tpu.memory_space<hbm>>) target_semaphore(%arg16 : memref<!tpu.dma_semaphore, #tpu.memory_space<semaphore_mem>>)
    %mul3A_96 = arith.constant 10000 : i32
    %mul3A_97 = arith.muli %add3A, %mul3A_96 : i32
    %add3A_98 = arith.constant 640000 : i32
    %add3A_99 = arith.addi %add3A_98, %mul3A_97 : i32
    %dma_wait3A_100 = arith.constant 0 : i32
    %dma_wait3A_101 = tpu.memref_slice %arg4[%add3A_99, %dma_wait3A_100] : memref<960000x128xf32, #tpu.memory_space<hbm>> -> memref<200x128xf32, #tpu.memory_space<hbm>>
    %dma_wait3A_102 = arith.constant 0 : i32
    %dma_wait3A_103 = tpu.memref_slice %arg4[%add3A_99, %dma_wait3A_102] : memref<960000x128xf32, #tpu.memory_space<hbm>> -> memref<200x128xf32, #tpu.memory_space<hbm>>
    tpu.wait_dma2 semaphore(%arg15 : memref<!tpu.dma_semaphore, #tpu.memory_space<semaphore_mem>>) src(%arg7 : memref<200x128xf32, #tpu.memory_space<vmem>>) dst(%dma_wait3A_103 : memref<200x128xf32, #tpu.memory_space<hbm>>)
    %dma_wait3A_104 = arith.constant 0 : i32
    %dma_wait3A_105 = tpu.memref_slice %arg4[%add3A_99, %dma_wait3A_104] : memref<960000x128xf32, #tpu.memory_space<hbm>> -> memref<200x128xf32, #tpu.memory_space<hbm>>
    %dma_wait3A_106 = arith.constant 0 : i32
    %dma_wait3A_107 = tpu.memref_slice %arg4[%add3A_99, %dma_wait3A_106] : memref<960000x128xf32, #tpu.memory_space<hbm>> -> memref<200x128xf32, #tpu.memory_space<hbm>>
    tpu.wait_dma2 semaphore(%arg16 : memref<!tpu.dma_semaphore, #tpu.memory_space<semaphore_mem>>) src(%arg8 : memref<200x128xf32, #tpu.memory_space<vmem>>) dst(%dma_wait3A_107 : memref<200x128xf32, #tpu.memory_space<hbm>>)
    %dma_wait3A_108 = arith.constant 0 : i32
    %dma_wait3A_109 = tpu.memref_slice %arg4[%add3A_99, %dma_wait3A_108] : memref<960000x128xf32, #tpu.memory_space<hbm>> -> memref<200x128xf32, #tpu.memory_space<hbm>>
    %dma_wait3A_110 = arith.constant 0 : i32
    %dma_wait3A_111 = tpu.memref_slice %arg4[%add3A_99, %dma_wait3A_110] : memref<960000x128xf32, #tpu.memory_space<hbm>> -> memref<200x128xf32, #tpu.memory_space<hbm>>
    tpu.wait_dma2 semaphore(%arg17 : memref<!tpu.dma_semaphore, #tpu.memory_space<semaphore_mem>>) src(%arg9 : memref<200x128xf32, #tpu.memory_space<vmem>>) dst(%dma_wait3A_111 : memref<200x128xf32, #tpu.memory_space<hbm>>)
    %dma_wait3A_112 = arith.constant 0 : i32
    %dma_wait3A_113 = tpu.memref_slice %arg4[%add3A_99, %dma_wait3A_112] : memref<960000x128xf32, #tpu.memory_space<hbm>> -> memref<200x128xf32, #tpu.memory_space<hbm>>
    %dma_wait3A_114 = arith.constant 0 : i32
    %dma_wait3A_115 = tpu.memref_slice %arg4[%add3A_99, %dma_wait3A_114] : memref<960000x128xf32, #tpu.memory_space<hbm>> -> memref<200x128xf32, #tpu.memory_space<hbm>>
    tpu.wait_dma2 semaphore(%arg18 : memref<!tpu.dma_semaphore, #tpu.memory_space<semaphore_mem>>) src(%arg10 : memref<200x128xf32, #tpu.memory_space<vmem>>) dst(%dma_wait3A_115 : memref<200x128xf32, #tpu.memory_space<hbm>>)
    return
  }
}

module attributes {stable_mosaic.version = 14 : i64} {
  func.func @_tc_atom_kernel(%arg0: i32, %arg1: memref<1x1x720xi32, #tpu.memory_space<vmem>>, %arg2: memref<1152x128xbf16, #tpu.memory_space<vmem>>, %arg3: memref<720x128xf32, #tpu.memory_space<vmem>>) attributes {dimension_semantics = [#tpu.dimension_semantics<arbitrary>], iteration_bounds = array<i64: 125>, scalar_prefetch = 0 : i64, scratch_operands = 0 : i64, tpu.core_type = #tpu.core_type<tc>, window_params = [{transform_indices = @transform_0, window_bounds = array<i64: 1, 1, 720>}, {pipeline_mode = #tpu.pipeline_mode<synchronous>, transform_indices = @transform_1, window_bounds = array<i64: 1152, 128>}, {transform_indices = @transform_2, window_bounds = array<i64: 720, 128>}]} {
    %get3A = arith.constant 0 : index
    %get3A_0 = arith.constant 0 : index
    %get3A_1 = arith.constant 0 : index
    %get3A_2 = vector.load %arg1[%get3A, %get3A_0, %get3A_1] : memref<1x1x720xi32, #tpu.memory_space<vmem>>, vector<1x1x720xi32>
    %get3A_3 = vector.shape_cast %get3A_2 : vector<1x1x720xi32> to vector<720xi32>
    %broadcast_in_dim3A = vector.shape_cast %get3A_3 : vector<720xi32> to vector<720x1xi32>
    %iota3A = tpu.iota {dimensions = array<i32: 1>} : vector<720x1152xi32>
    %eq3A = vector.broadcast %broadcast_in_dim3A : vector<720x1xi32> to vector<720x1152xi32>
    %eq3A_4 = arith.cmpi eq, %eq3A, %iota3A : vector<720x1152xi32>
    %convert_element_type3A = arith.extui %eq3A_4 : vector<720x1152xi1> to vector<720x1152xi32>
    %convert_element_type3A_5 = arith.sitofp %convert_element_type3A : vector<720x1152xi32> to vector<720x1152xf32>
    %convert_element_type3A_6 = arith.truncf %convert_element_type3A_5 : vector<720x1152xf32> to vector<720x1152xbf16>
    %get3A_7 = arith.constant 0 : index
    %get3A_8 = arith.constant 0 : index
    %get3A_9 = vector.load %arg2[%get3A_7, %get3A_8] : memref<1152x128xbf16, #tpu.memory_space<vmem>>, vector<1152x128xbf16>
    %dot_general3A = arith.constant dense<0.000000e+00> : vector<720x128xf32>
    %dot_general3A_10 = tpu.matmul %convert_element_type3A_6, %get3A_9, %dot_general3A {dimension_numbers = #tpu.dot_dimension_numbers<[1], [0], [0], [1], [0, 0, 1, 1], [], []>, transpose_lhs_hint = false} : vector<720x1152xbf16>, vector<1152x128xbf16>, vector<720x128xf32> -> vector<720x128xf32>
    %swap3A = arith.constant 0 : index
    %swap3A_11 = arith.constant 0 : index
    %swap3A_12 = vector.load %arg3[%swap3A, %swap3A_11] : memref<720x128xf32, #tpu.memory_space<vmem>>, vector<720x128xf32>
    tpu.vector_store %arg3[%swap3A, %swap3A_11], %dot_general3A_10 {strides = array<i32>} : memref<720x128xf32, #tpu.memory_space<vmem>>, vector<720x128xf32>,
    return
  }
  func.func @transform_0(%arg0: i32) -> (i32, i32, i32) {
    %c0_i32 = arith.constant 0 : i32
    %c0_i32_0 = arith.constant 0 : i32
    %c0_i32_1 = arith.constant 0 : i32
    return %arg0, %c0_i32, %c0_i32_0 : i32, i32, i32
  }
  func.func @transform_1(%arg0: i32) -> (i32, i32) {
    %c0_i32 = arith.constant 0 : i32
    %c0_i32_0 = arith.constant 0 : i32
    %c0_i32_1 = arith.constant 0 : i32
    return %c0_i32, %c0_i32_0 : i32, i32
  }
  func.func @transform_2(%arg0: i32) -> (i32, i32) {
    %c0_i32 = arith.constant 0 : i32
    %c0_i32_0 = arith.constant 0 : i32
    return %arg0, %c0_i32 : i32, i32
  }
}

</mosaic_0001>

<sc_bundles>
// kernel: kernel.4.cloned.1.call-start
scs
__scs_entry_jumppad:
0x0: {  	(pc) =	sbr.rel $0x88, $3  }
0x1: {  	(tag) =	ssettag $0x0;
	lr =	simm.s32 $0x1  }
0x2: {  	[smem:$0x3F9D] =	sst lr;
	_ =	strace $0xD0000000  }
0x3: {  	_ = 	snop  }
0x4: {  	_ = 	snop  }
0x5: {  	_ = 	snop  }
0x6: {  	_ = 	snop  }
0x7: {  	_ = 	snop  }
__scs_overlays_trampoline_lowered:
0x8: {  	[smem:$0x3FAC] =	sst s0  }
0x9: {  	[smem:$0x3FAD] =	sst s1  }
0xa: {  	[smem:$0x3FAE] =	sst s2  }
0xb: {  	[smem:$0x3FAF] =	sst s3  }
0xc: {  	[smem:$0x3FB0] =	sst s4  }
0xd: {  	[smem:$0x3FB1] =	sst s5  }
0xe: {  	[smem:$0x3FB2] =	sst s6  }
0xf: {  	[smem:$0x3FB3] =	sst s7  }
0x10: {  	[smem:$0x3FB4] =	sst s8  }
0x11: {  	[smem:$0x3FB5] =	sst s9;
	s0 =	simm.s32 @!p0 $0x0  }
0x12: {  	s1 =	sld [smem:$0x3F9B];
	s0 =	simm.s32 @p0 $0x1  }
0x13: {  	[smem:$0x3FB6] =	sst s0;
	s0 =	simm.s32 @!p1 $0x0  }
0x14: {  	s2 =	sld [smem:$0x3F9A];
	s0 =	simm.s32 @p1 $0x1  }
0x15: {  	[smem:$0x3FB7] =	sst s0;
	s0 =	simm.s32 @!p2 $0x0  }
0x16: {  	s3 =	sld [smem:$0x3FDB];
	s0 =	simm.s32 @p2 $0x1  }
0x17: {  	s4 =	simm.s32 $0x1BF5;
	[smem:$0x3FB9] =	sst s0  }
0x18: {  	s0 =	sld [smem:$0x3F9C];
	_ =	swait.ge [sflag:s4], $0x0  }
0x19: {  	s7 =	sld [smem:$0x3F9D]  }
0x1a: {  	s8 =	sadd.s32 $0xFFFFE003, lr  }
0x1b: {  	s9 =	sadd.s32 $0xFFFFFEF7, lr;
	s5 =	simm.s32 $0xFFFFFFFF;
	p2 =	slt.u32 s8, $0xFFFFF086  }
0x1c: {  	p1 =	slt.u32 s9, $0xF7A;
	s5 =	simm.s32 @!p2 $0x0  }
0x1d: {  	s5 =	simm.s32 @p1 $0x1;
	p0 =	seq.s32 s7, s2  }
0x1e: {  	s7 =	smul.u32 @!p0 $0xF7A, s2;
	p2 =	seq.s32 @!p0 s5, $0x0  }
0x1f: {  	s9 =	smul.u32 $0xF7A, s1;
	s8 =	simm.s32 @!p0 $0x1BF5;
	p2 =	por !p2, p0  }
0x20: {  	[sflag:s8] =	ssyncset.s32 @!p0 $0xFFFFF086;
	s6 =	sadd.s32 @!p0 s3, s7;
	s7 =	simm.s32 @!p0 $0x108  }
0x21: {  	s3 =	sadd.s32 s3, s9;
	s6 =	sadd.s32 @!p0 $0x88, s6;
	s7 =	simm.s32 @p2 $0x1082  }
0x22: {  	[simem:s7], [sflag:s8] =	dma.local @!p0 [hbm:s6], $0xF7A  }
0x23: {  	s9 =	sor.u32 $0xD0000000, s2;
	s6 =	simm.s32 $0x108;
	_ =	swait.ge @!p0 [sflag:s8], $0x0  }
0x24: {  	s3 =	sadd.s32 $0x88, s3;
	s6 =	simm.s32 @!p1 $0x1082;
	[sflag:s4] =	ssyncset.s32 $0xFFFFF086  }
0x25: {  	[simem:s6], [sflag:s4] =	dma.local [hbm:s3], $0xF7A  }
0x26: {  	[smem:$0x3F9D] =	sst s1;
	(tag) =	ssettag s2;
	_ =	strace s9  }
0x27: {  	s1 =	sld [smem:$0x3FAD]  }
0x28: {  	s2 =	sld [smem:$0x3FAE]  }
0x29: {  	s4 =	sld [smem:$0x3FB0]  }
0x2a: {  	p0 =	seq.s32 s5, $0x0;
	s5 =	sld [smem:$0x3FB1]  }
0x2b: {  	s6 =	sld [smem:$0x3FB2]  }
0x2c: {  	s7 =	sld [smem:$0x3FB3]  }
0x2d: {  	s3 =	simm.s32 $0x108;
	s8 =	sld [smem:$0x3FB4]  }
0x2e: {  	s3 =	simm.s32 @!p0 $0x1082;
	s9 =	sld [smem:$0x3FB5]  }
0x2f: {  	lr =	sadd.s32 s0, s3;
	s0 =	sld [smem:$0x3FAC]  }
0x30: {  	s3 =	sld [smem:$0x3FAF]  }
0x31: {  	[smem:$0x3FB8] =	sst s10  }
0x32: {  	s10 =	sld [smem:$0x3FB6];
	_ =	sdelay $0x3  }
0x33: {  	p0 =	seq.s32 s10, $0x1;
	s10 =	sld [smem:$0x3FB8];
	_ =	sdelay $0x3  }
0x34: {  	[smem:$0x3FB8] =	sst s10  }
0x35: {  	s10 =	sld [smem:$0x3FB7];
	_ =	sdelay $0x3  }
0x36: {  	p1 =	seq.s32 s10, $0x1;
	s10 =	sld [smem:$0x3FB8];
	_ =	sdelay $0x3  }
0x37: {  	[smem:$0x3FB8] =	sst s10  }
0x38: {  	s10 =	sld [smem:$0x3FB9]  }
0x39: {  	_ = 	snop;
	(pc) =	sbr.ind lr, $3  }
0x3a: {  	_ = 	snop  }
0x3b: {  	_ = 	snop  }
0x3c: {  	p2 =	seq.s32 s10, $0x1;
	s10 =	sld [smem:$0x3FB8]  }
0x3d: {  	_ =	shalt  }
0x3e: {  	_ =	shalt  }
0x3f: {  	_ =	shalt  }
0x40: {  	_ =	shalt  }
0x41: {  	_ =	shalt  }
0x42: {  	_ =	shalt  }
0x43: {  	_ =	shalt  }
0x44: {  	_ =	shalt  }
0x45: {  	_ =	shalt  }
0x46: {  	_ =	shalt  }
0x47: {  	_ =	shalt  }
0x48: {  	_ =	shalt  }
0x49: {  	_ =	shalt  }
0x4a: {  	_ =	shalt  }
0x4b: {  	_ =	shalt  }
0x4c: {  	_ =	shalt  }
0x4d: {  	_ =	shalt  }
0x4e: {  	_ =	shalt  }
0x4f: {  	_ =	shalt  }
0x50: {  	_ =	shalt  }
0x51: {  	_ =	shalt  }
0x52: {  	_ =	shalt  }
0x53: {  	_ =	shalt  }
0x54: {  	_ =	shalt  }
0x55: {  	_ =	shalt  }
0x56: {  	_ =	shalt  }
0x57: {  	_ =	shalt  }
0x58: {  	_ =	shalt  }
0x59: {  	_ =	shalt  }
0x5a: {  	_ =	shalt  }
0x5b: {  	_ =	shalt  }
0x5c: {  	_ =	shalt  }
0x5d: {  	_ =	shalt  }
0x5e: {  	_ =	shalt  }
0x5f: {  	_ =	shalt  }
0x60: {  	_ =	shalt  }
0x61: {  	_ =	shalt  }
0x62: {  	_ =	shalt  }
0x63: {  	_ =	shalt  }
0x64: {  	_ =	shalt  }
0x65: {  	_ =	shalt  }
0x66: {  	_ =	shalt  }
0x67: {  	_ =	shalt  }
0x68: {  	_ =	shalt  }
0x69: {  	_ =	shalt  }
0x6a: {  	_ =	shalt  }
0x6b: {  	_ =	shalt  }
0x6c: {  	_ =	shalt  }
0x6d: {  	_ =	shalt  }
0x6e: {  	_ =	shalt  }
0x6f: {  	_ =	shalt  }
0x70: {  	_ =	shalt  }
0x71: {  	_ =	shalt  }
0x72: {  	_ =	shalt  }
0x73: {  	_ =	shalt  }
0x74: {  	_ =	shalt  }
0x75: {  	_ =	shalt  }
0x76: {  	_ =	shalt  }
0x77: {  	_ =	shalt  }
0x78: {  	_ =	shalt  }
0x79: {  	_ =	shalt  }
0x7a: {  	_ =	shalt  }
0x7b: {  	_ =	shalt  }
0x7c: {  	_ =	shalt  }
0x7d: {  	_ =	shalt  }
0x7e: {  	_ =	shalt  }
0x7f: {  	_ =	shalt  }
0x80: {  	_ =	shalt  }
0x81: {  	_ =	shalt  }
0x82: {  	_ =	shalt  }
0x83: {  	_ =	shalt  }
0x84: {  	_ =	shalt  }
0x85: {  	_ =	shalt  }
0x86: {  	_ =	shalt  }
0x87: {  	_ =	shalt  }
.Lfunc_end0:
.L_simem_size_0:
called_computation_lowered:
.L_overlay_start_0:
0x88: {  	s2 =	sld [smem:$0x3FD9]  }
0x89: {  	s3 =	sld [smem:$0x3FFE];
	_ =	sdelay $0x1  }
0x8a: {  	s1 =	srdreg.scid  }
0x8b: {  	s0 =	sand.u32 $0x1, s1  }
0x8c: {  	s14 =	sshll.u32 s0, $0xA;
	s2 =	sadd.s32 s3, s2  }
0x8d: {  	s2 =	sadd.s32 s2, s14  }
0x8e: {  	[smem:$0x3FC4] =	sst s2  }
0x8f: {  	_ = 	snop  }
0x90: {  	s2 =	sld [smem:$0x3FD0];
	_ =	sdelay $0x2  }
0x91: {  	s4 =	simm.s32 $0xA;
	s5 =	simm.s32 $0x10;
	s15 =	sld [smem:$0x3FC6]  }
0x92: {  	[smem:s5], [sflag:s4] =	dma.local [hbm:s2], $0x1  }
0x93: {  	_ =	swait.eq [sflag:s4], $0x1  }
0x94: {  	[sflag:s4] =	ssyncset.done $0x0  }
0x95: {  	[sflag:s4] =	ssyncadd.s32 $0xFFFFFFFF  }
0x96: {  	s16 =	sld [smem:$0x11];
	(tm) =	ssettm $0x1  }
0x97: {  	s17 =	sld [smem:$0x3FFB];
	_ =	sdelay $0x3  }
0x98: {  	_ =	strace s17  }
0x99: {  	s4 =	sld [smem:$0x3FFC];
	_ =	sdelay $0x3  }
0x9a: {  	_ =	strace s4  }
0x9b: {  	s4 =	sld [smem:$0x3FFD];
	_ =	sdelay $0x3  }
0x9c: {  	_ =	strace s4  }
0x9d: {  	_ =	strace $0x8FFFFFFF  }
0x9e: {  	s18 =	sld [smem:$0x3FDB];
	_ =	sdelay $0x1  }
0x9f: {  	s19 =	simm.s32 $_scs_section_size  }
0xa0: {  	s6 =	simm.s32 $_size__tile_overlayer_lowered;
	s7 =	simm.s32 $_tile_overlayer_lowered  }
0xa1: {  	s22 =	simm.s32 $0x1BFF;
	s21 =	sshll.u32 s7, $0x1;
	s4 =	sadd.s32 s19, s18  }
0xa2: {  	s8 =	simm.s32 $0x0;
	s20 =	sshll.u32 s6, $0x1;
	s6 =	sadd.s32 s21, s4  }
0xa3: {  	[timem:s8], [sflag:s22] =	dma.local [hbm:s6], s20  }
0xa4: {  	_ =	swait.ge [sflag:s22], s20  }
0xa5: {  	s5 =	ssub.s32 $0x0, s20;
	[sflag:s22] =	ssyncset.done $0x0  }
0xa6: {  	[sflag:s22] =	ssyncadd.s32 s5;
	_ =	sdelay $0x1  }
0xa7: {  	s23 =	simm.s32 $0x1B8B  }
0xa8: {  	_ =	swait.ge [sflag:s23], $0x1  }
0xa9: {  	[sflag:s23] =	ssyncset.done $0x0  }
0xaa: {  	s25 =	simm.s32 $0x1B8E;
	s24 =	sld [smem:$0x3FFE];
	[sflag:s23] =	ssyncadd.s32 $0xFFFFFFFF  }
0xab: {  	s26 =	simm.s32 $execute0_lowered;
	[smem:$0x3FD2] =	sst s25  }
0xac: {  	s6 =	sshll.u32 s26, $0x1;
	_ =	strace $0x80000046;
	[dreg:$0x1] =	wrdreg $0xFFFFFFFF  }
0xad: {  	s28 =	simm.s32 $_size_execute0_lowered;
	s4 =	sadd.s32 s4, s6;
	[dreg:$0x0] =	wrdreg $0x0  }
0xae: {  	s6 =	sshll.u32 s28, $0x1;
	[dreg:$0x2] =	wrdreg s4  }
0xaf: {  	[dreg:$0x3] =	wrdreg s6  }
0xb0: {  	[dreg:$0x4] =	wrdreg $0xC0  }
0xb1: {  	_ =	task [dreg:s8], $0x5FFFF  }
0xb2: {  	[dreg:$0x1] =	wrdreg $0xFFFFFFFF  }
0xb3: {  	[dreg:$0x0] =	wrdreg $0x60  }
0xb4: {  	[dreg:$0x2] =	wrdreg s24  }
0xb5: {  	[dreg:$0x3] =	wrdreg s15  }
0xb6: {  	[dreg:$0x4] =	wrdreg s16  }
0xb7: {  	[dreg:$0x5] =	wrdreg $0x0  }
0xb8: {  	[dreg:$0x6] =	wrdreg $0x9  }
0xb9: {  	_ =	task.clear_ibuf [dreg:s8], $0x7FFFF;
	_ =	strace $0x90000046  }
0xba: {  	s29 =	simm.s32 $0x9;
	_ =	strace $0x80000048  }
0xbb: {  	_ =	swait.ge [sflag:s29], $0x1  }
0xbc: {  	[sflag:s29] =	ssyncadd.s32 $0xFFFFFFFF  }
0xbd: {  	_ =	strace $0x90000048  }
0xbe: {  	_ =	sfence  }
0xbf: {  	s30 =	sld [smem:$0x0];
	_ =	sdelay $0x2  }
0xc0: {  	s31 =	sshll.u32 s1, $0xD;
	s1 =	sshrl.u32 s1, $0x2  }
0xc1: {  	s3 =	sand.u32 $0x4000, s31;
	s1 =	sadd.s32 s1, s30  }
0xc2: {  	s0 =	sor.u32 s3, s0;
	s1 =	sshll.u32 s1, $0x11  }
0xc3: {  	s0 =	sor.u32 s1, s0  }
0xc4: {  	s0 =	sadd.s32 $0x8F2B, s0  }
0xc5: {  	[sflag:s0] =	ssyncadd.remote.s32 $0x1  }
0xc6: {  	_ =	sfence.sel $0xFFFF  }
0xc7: {  	[dreg:$0x0] =	wrdreg $0xFFFFFFFF;
	(pc) =	sbr.abs _section_cstart, $3  }
0xc8: {  	[dreg:$0x1] =	wrdreg $0xFFFFFFFF  }
0xc9: {  	_ =	task.clear_ibuf [dreg:s8], $0x2FFFF;
	_ =	strace $0x9FFFFFFF  }
0xca: {  	(tm) =	ssettm $0x7FFFFFFF  }
0xcb: {  	_ =	shalt  }
tec
execute0_lowered:
.L_overlay_start_1:
0x0: {  	(tag) =	ssettag $0x1  }
0x1: {  	s0 =	rddreg [dreg:$0x0]  }
0x2: {  	s1 =	srdreg.scid;
	s5 =	rddreg [dreg:$0x2]  }
0x3: {  	s4 =	stileid.u32;
	s2 =	rddreg [dreg:$0x3]  }
0x4: {  	s28 =	simm.s32 $0x3;
	s29 =	simm.s32 $0x4;
	s30 =	simm.s32 $0x5  }
0x5: {  	s31 =	simm.s32 $0x6;
	s1 =	sand.u32 $0x1, s1;
	s3 =	sshll.u32 s4, $0x1  }
0x6: {  	s20 =	smul.u32 $0x4E200, s4;
	p0 =	sne.s32 s4, $0x0;
	s6 =	sor.u32 s1, s3  }
0x7: {  	s3 =	simm.s32 $0x0;
	s8 =	ssub.s32 $0x2, s1;
	s7 =	smul.u32 $0x2710, s6  }
0x8: {  	[smem:$0x7FF] =	sst s3;
	s6 =	smul.u32 $0x138800, s6;
	s9 =	sshrl.u32 s8, $0x1  }
0x9: {  	_ =	strace $0x80000047;
	s14 =	ssub.s32 s8, s9;
	s7 =	sshrl.u32 s7, $0x3  }
0xa: {  	s6 =	sshrl.u32 s6, $0x3;
	s26 =	smax.u32 s14, $0x1;
	s0 =	sadd.s32 s7, s0  }
0xb: {  	s6 =	sadd.s32 s5, s6;
	[dreg:$0xe] =	wrdreg s26;
	s15 =	sadd.s32 $0x800, s0  }
0xc: {  	s22 =	smul.u32 $0x27100, s1;
	s16 =	sadd.s32 $0x25800, s6;
	[dreg:$0x5] =	wrdreg s15  }
0xd: {  	s1 =	simm.s32 $0x1;
	s17 =	sadd.s32 $0x26480, s6;
	[dreg:$0x6] =	wrdreg s16  }
0xe: {  	s25 =	sadd.s32 s20, s5;
	s18 =	sadd.s32 $0xA440, s0;
	[dreg:$0x7] =	wrdreg s17  }
0xf: {  	s20 =	simm.s32 $0xC00;
	s19 =	sadd.s32 $0x507800, s6;
	[dreg:$0x8] =	wrdreg s18  }
0x10: {  	s14 =	sadd.s32 s22, s25;
	s21 =	sadd.s32 $0x508480, s6;
	[dreg:$0x9] =	wrdreg s19  }
0x11: {  	s22 =	simm.s32 $0x8;
	s0 =	sadd.s32 $0x14080, s0;
	[dreg:$0xa] =	wrdreg s21  }
0x12: {  	s25 =	simm.s32 $0xCC8;
	s23 =	sadd.s32 $0x9E9800, s6;
	[dreg:$0xb] =	wrdreg s0  }
0x13: {  	s26 =	simm.s32 $0x15F80;
	s24 =	sadd.s32 $0x9EA480, s6;
	[dreg:$0xc] =	wrdreg s23  }
0x14: {  	[dreg:$0xd] =	wrdreg s24;
	s15 =	sshrl.u32 @!p0 s2, $0x3;
	s16 =	simm.s32 $0x9  }
0x15: {  	s17 =	simm.s32 $0x3380;
	s18 =	simm.s32 $0x2;
	s19 =	simm.s32 $0x9780  }
0x16: {  	s21 =	simm.s32 $0x7;
	s23 =	simm.s32 $0xC8;
	s0 =	simm.s32 $0x0  }
.LBB2_1:
0x17: {  	s4 =	simm.s32 @!p0 $0x1C09;
	s5 =	rddreg [dreg:$0x1]  }
0x18: {  	[spmem:s15], [sflag:s4] =	dma.local @!p0 [hbm:s5], $0x1800  }
0x19: {  	s4 =	simm.s32 @!p0 $0x9  }
0x1a: {  	_ =	swait.ge @!p0 [sflag:s4], $0x1800  }
0x1b: {  	[sflag:s4] =	ssyncset.done @!p0 $0x0  }
0x1c: {  	[sflag:s4] =	ssyncadd.s32 @!p0 $0xFFFFE800  }
0x1d: {  	s24 =	sand.u32 $0x1, s3;
	[bflag:$0x0] =	sbarrier.arrive $0xFFFF  }
0x1e: {  	p1 =	seq.s32 s24, $0x1;
	s13 =	rddreg [dreg:$0x5]  }
0x1f: {  	[tilespmem:s20], [sflag:$0x9] =	stream.linear.gather [hbm4b:s13+s3], $0x2710, $0x38;
	[tilespmem:$0x1C380] =	vst v63  }
0x20: {  	p2 =	por @p1 $0x1, $0x1;
	_ =	swait.ge [sflag:s16], $0x2710  }
0x21: {  	p2 =	por p2, !p1;
	[sflag:s16] =	ssyncset.done $0x0  }
0x22: {  	s4 =	simm.s32 @!p2 $0x7;
	[sflag:s16] =	ssyncadd.s32 $0xFFFFD8F0  }
0x23: {  	_ =	swait.ge @!p2 [sflag:s4], $0x6400  }
0x24: {  	[sflag:s4] =	ssyncset.done @!p2 $0x0  }
0x25: {  	s5 =	simm.s32 @!p2 $0x8;
	[sflag:s4] =	ssyncadd.s32 @!p2 $0xFFFF9C00  }
0x26: {  	_ =	swait.ge @!p2 [sflag:s5], $0x6400  }
0x27: {  	p1 =	por p1, p1;
	[sflag:s5] =	ssyncset.done @!p2 $0x0  }
0x28: {  	s6 =	simm.s32 @p1 $0xFB80;
	s4 =	simm.s32 @p1 $0xC8;
	[sflag:s5] =	ssyncadd.s32 @!p2 $0xFFFF9C00  }
0x29: {  	[tilespmem:s6], [sflag:$0x3] =	stream.indirect.gather @p1 [spmem:s2], $0x80, s20, s4, $0xb8;
	[tilespmem:$0x1C380] =	vst v63  }
0x2a: {  	s7 =	simm.s32 @p1 $0x1;
	s5 =	simm.s32 @p1 $0xCC8;
	s6 =	simm.s32 @p1 $0x15F80  }
0x2b: {  	[tilespmem:s6], [sflag:$0x4] =	stream.indirect.gather @p1 [spmem:s2], $0x80, s5, s4, $0xb8;
	[tilespmem:$0x1C380] =	vst v63  }
0x2c: {  	s8 =	simm.s32 @p1 $0x0;
	_ =	swait.ge @p1 [sflag:s7], $0x6400  }
0x2d: {  	s4 =	sadd.s32 @p1 $0x0, s14;
	s5 =	simm.s32 @p1 $0x3380;
	[sflag:s7] =	ssyncset.done @p1 $0x0  }
0x2e: {  	s6 =	sadd.s32 @p1 $0xFFFFE700, s4;
	[sflag:s7] =	ssyncadd.s32 @p1 $0xFFFF9C00;
	s7 =	simm.s32 @p1 $0x2  }
0x2f: {  	[hbm4b:s6+s8] =	stream.linear.scatter @p1 [tilespmem:s5], [sflag:$0x5], $0x6400, $0x38;
	[tilespmem:$0x1C380] =	vst v63  }
0x30: {  	p2 =	por @!p1 $0x1, $0x1;
	_ =	swait.ge @p1 [sflag:s7], $0x6400  }
0x31: {  	p2 =	por p2, p1;
	s4 =	sadd.s32 @p1 $0xFFFFF380, s4;
	[sflag:s7] =	ssyncset.done @p1 $0x0  }
0x32: {  	s5 =	simm.s32 @p1 $0x9780;
	s6 =	simm.s32 @!p2 $0x5;
	[sflag:s7] =	ssyncadd.s32 @p1 $0xFFFF9C00  }
0x33: {  	[hbm4b:s4+s8] =	stream.linear.scatter @p1 [tilespmem:s5], [sflag:$0x6], $0x6400, $0x38;
	[tilespmem:$0x1C380] =	vst v63  }
0x34: {  	s9 =	simm.s32 @!p1 $0x3380;
	_ =	swait.ge @!p2 [sflag:s6], $0x6400  }
0x35: {  	s11 =	simm.s32 @!p1 $0xC8;
	s10 =	simm.s32 @!p1 $0x9780;
	[sflag:s6] =	ssyncset.done @!p2 $0x0  }
0x36: {  	s7 =	simm.s32 $0x3200;
	s8 =	simm.s32 @!p2 $0x6;
	[sflag:s6] =	ssyncadd.s32 @!p2 $0xFFFF9C00  }
0x37: {  	s4 =	simm.s32 $0x1900;
	s6 =	simm.s32 $0x1;
	_ =	swait.ge @!p2 [sflag:s8], $0x6400  }
0x38: {  	s5 =	simm.s32 $0xD90;
	s12 =	sand.u32 $0x1, s6;
	[sflag:s8] =	ssyncset.done @!p2 $0x0  }
0x39: {  	p3 =	seq.s32 s12, $0x1;
	[sflag:s8] =	ssyncadd.s32 @!p2 $0xFFFF9C00;
	p2 =	por @!p1 $0x1, $0x1  }
0x3a: {  	[tilespmem:s9], [sflag:$0x1] =	stream.indirect.gather @!p1 [spmem:s2], $0x80, s20, s11, $0xb8;
	[tilespmem:$0x1C380] =	vst v63  }
0x3b: {  	s8 =	simm.s32 $0x0;
	s9 =	simm.s32 @!p1 $0xCC8;
	p4 =	por p2, p1  }
.LBB2_2:
0x3c: {  	[tilespmem:s10], [sflag:$0x2] =	stream.indirect.gather @!p1 [spmem:s2], $0x80, s9, s11, $0xb8;
	[tilespmem:$0x1C380] =	vst v63  }
0x3d: {  	s9 =	simm.s32 @!p4 $0x3;
	s10 =	smov.u32 s7;
	s7 =	sadd.s32 $0x1900, s7  }
0x3e: {  	s8 =	sadd.s32 @!p4 s8, s14;
	s11 =	simm.s32 @!p4 $0xFB80;
	_ =	swait.ge @!p4 [sflag:s9], $0x6400  }
0x3f: {  	s24 =	simm.s32 @!p4 $0x0;
	s12 =	sadd.s32 @!p4 $0xFFFFE700, s8;
	[sflag:s9] =	ssyncset.done @!p4 $0x0  }
0x40: {  	p1 =	slt.u32 @p3 s6, $0x3;
	[sflag:s9] =	ssyncadd.s32 @!p4 $0xFFFF9C00;
	s9 =	simm.s32 @!p4 $0x4  }
0x41: {  	[hbm4b:s12+s24] =	stream.linear.scatter @!p4 [tilespmem:s11], [sflag:$0x7], $0x6400, $0x38;
	[tilespmem:$0x1C380] =	vst v63  }
0x42: {  	p5 =	por p1, !p3;
	s11 =	sadd.s32 @!p4 $0xFFFFF380, s8;
	_ =	swait.ge @!p4 [sflag:s9], $0x6400  }
0x43: {  	s13 =	simm.s32 @!p4 $0x15F80;
	s12 =	simm.s32 @!p5 $0x7;
	[sflag:s9] =	ssyncset.done @!p4 $0x0  }
0x44: {  	p2 =	sne.s32 s7, $0x27100;
	s8 =	smov.u32 s4;
	[sflag:s9] =	ssyncadd.s32 @!p4 $0xFFFF9C00  }
0x45: {  	[hbm4b:s11+s24] =	stream.linear.scatter @!p4 [tilespmem:s13], [sflag:$0x8], $0x6400, $0x38;
	[tilespmem:$0x1C380] =	vst v63  }
0x46: {  	s4 =	smov.u32 s10;
	s9 =	smov.u32 s5;
	_ =	swait.ge @!p5 [sflag:s12], $0x6400  }
0x47: {  	p1 =	por p3, p3;
	s10 =	simm.s32 @!p5 $0x8;
	[sflag:s12] =	ssyncset.done @!p5 $0x0  }
0x48: {  	[sflag:s12] =	ssyncadd.s32 @!p5 $0xFFFF9C00  }
0x49: {  	_ =	swait.ge @!p5 [sflag:s10], $0x6400  }
0x4a: {  	s11 =	simm.s32 @p1 $0xC8;
	s12 =	simm.s32 @p1 $0xFB80;
	[sflag:s10] =	ssyncset.done @!p5 $0x0  }
0x4b: {  	[sflag:s10] =	ssyncadd.s32 @!p5 $0xFFFF9C00  }
0x4c: {  	[tilespmem:s12], [sflag:$0x3] =	stream.indirect.gather @p1 [spmem:s2], $0x80, s5, s11, $0xb8;
	[tilespmem:$0x1C380] =	vst v63  }
0x4d: {  	s13 =	simm.s32 @p1 $0x1;
	s10 =	sadd.s32 @p1 $0xC8, s5;
	s12 =	simm.s32 @p1 $0x15F80  }
0x4e: {  	[tilespmem:s12], [sflag:$0x4] =	stream.indirect.gather @p1 [spmem:s2], $0x80, s10, s11, $0xb8;
	[tilespmem:$0x1C380] =	vst v63  }
0x4f: {  	s10 =	sadd.s32 @p1 s8, s14;
	s11 =	simm.s32 @p1 $0x3380;
	_ =	swait.ge @p1 [sflag:s13], $0x6400  }
0x50: {  	s24 =	simm.s32 @p1 $0x0;
	s12 =	sadd.s32 @p1 $0xFFFFE700, s10;
	[sflag:s13] =	ssyncset.done @p1 $0x0  }
0x51: {  	s10 =	sadd.s32 @p1 $0xFFFFF380, s10;
	[sflag:s13] =	ssyncadd.s32 @p1 $0xFFFF9C00;
	s13 =	simm.s32 @p1 $0x2  }
0x52: {  	[hbm4b:s12+s24] =	stream.linear.scatter @p1 [tilespmem:s11], [sflag:$0x5], $0x6400, $0x38;
	[tilespmem:$0x1C380] =	vst v63  }
0x53: {  	p3 =	slt.u32 @!p1 s6, $0x2;
	_ =	swait.ge @p1 [sflag:s13], $0x6400  }
0x54: {  	p3 =	por p3, p1;
	s11 =	simm.s32 @p1 $0x9780;
	[sflag:s13] =	ssyncset.done @p1 $0x0  }
0x55: {  	s12 =	simm.s32 @!p3 $0x5;
	[sflag:s13] =	ssyncadd.s32 @p1 $0xFFFF9C00  }
0x56: {  	[hbm4b:s10+s24] =	stream.linear.scatter @p1 [tilespmem:s11], [sflag:$0x6], $0x6400, $0x38;
	[tilespmem:$0x1C380] =	vst v63  }
0x57: {  	_ =	swait.ge @!p3 [sflag:s12], $0x6400  }
0x58: {  	s6 =	sadd.s32 $0x1, s6;
	[sflag:s12] =	ssyncset.done @!p3 $0x0  }
0x59: {  	s5 =	sadd.s32 $0x190, s5;
	s11 =	simm.s32 @!p3 $0x6;
	[sflag:s12] =	ssyncadd.s32 @!p3 $0xFFFF9C00  }
.Ltmp0:
0x5a: {  	s10 =	simm.s32 @!p1 $0x9780;
	_ =	swait.ge @!p3 [sflag:s11], $0x6400;
	(pc) =	sbr.rel @p2 .LBB2_2-.Ltmp0, $4  }
0x5b: {  	p4 =	seq.s32 @!p1 s8, $0x0;
	s12 =	simm.s32 @!p1 $0x3380;
	[sflag:s11] =	ssyncset.done @!p3 $0x0  }
0x5c: {  	s13 =	sand.u32 $0x1, s6;
	[sflag:s11] =	ssyncadd.s32 @!p3 $0xFFFF9C00;
	s11 =	simm.s32 @!p1 $0xC8  }
0x5d: {  	[tilespmem:s12], [sflag:$0x1] =	stream.indirect.gather @!p1 [spmem:s2], $0x80, s9, s11, $0xb8;
	[tilespmem:$0x1C380] =	vst v63  }
0x5e: {  	p4 =	por p4, p1;
	p3 =	seq.s32 s13, $0x1;
	s9 =	sadd.s32 @!p1 $0xC8, s9  }
0x5f: {  	[tilespmem:s10], [sflag:$0x2] =	stream.indirect.gather @!p1 [spmem:s2], $0x80, s9, s11, $0xb8;
	[tilespmem:$0x1C380] =	vst v63  }
0x60: {  	s7 =	simm.s32 @!p4 $0x3  }
0x61: {  	s8 =	sadd.s32 @!p4 s8, s14;
	_ =	swait.ge @!p4 [sflag:s7], $0x6400  }
0x62: {  	s9 =	simm.s32 @!p4 $0xFB80;
	s11 =	simm.s32 @!p4 $0x0;
	[sflag:s7] =	ssyncset.done @!p4 $0x0  }
0x63: {  	s10 =	sadd.s32 @!p4 $0xFFFFE700, s8;
	[sflag:s7] =	ssyncadd.s32 @!p4 $0xFFFF9C00;
	s7 =	simm.s32 @!p4 $0x4  }
0x64: {  	[hbm4b:s10+s11] =	stream.linear.scatter @!p4 [tilespmem:s9], [sflag:$0x7], $0x6400, $0x38;
	[tilespmem:$0x1C380] =	vst v63  }
0x65: {  	p1 =	slt.u32 @p3 s6, $0x3;
	_ =	swait.ge @!p4 [sflag:s7], $0x6400  }
0x66: {  	p2 =	por p1, !p3;
	s8 =	sadd.s32 @!p4 $0xFFFFF380, s8;
	[sflag:s7] =	ssyncset.done @!p4 $0x0  }
0x67: {  	s9 =	simm.s32 @!p2 $0x7;
	s10 =	simm.s32 @!p4 $0x15F80;
	[sflag:s7] =	ssyncadd.s32 @!p4 $0xFFFF9C00  }
0x68: {  	[hbm4b:s8+s11] =	stream.linear.scatter @!p4 [tilespmem:s10], [sflag:$0x8], $0x6400, $0x38;
	[tilespmem:$0x1C380] =	vst v63  }
0x69: {  	_ =	swait.ge @!p2 [sflag:s9], $0x6400  }
0x6a: {  	[sflag:s9] =	ssyncset.done @!p2 $0x0  }
0x6b: {  	s7 =	simm.s32 @!p2 $0x8;
	[sflag:s9] =	ssyncadd.s32 @!p2 $0xFFFF9C00  }
0x6c: {  	_ =	swait.ge @!p2 [sflag:s7], $0x6400  }
0x6d: {  	p1 =	por p3, p3;
	[sflag:s7] =	ssyncset.done @!p2 $0x0  }
0x6e: {  	s8 =	simm.s32 @p1 $0xC8;
	s9 =	simm.s32 @p1 $0xFB80;
	[sflag:s7] =	ssyncadd.s32 @!p2 $0xFFFF9C00  }
0x6f: {  	[tilespmem:s9], [sflag:$0x3] =	stream.indirect.gather @p1 [spmem:s2], $0x80, s5, s8, $0xb8;
	[tilespmem:$0x1C380] =	vst v63  }
0x70: {  	s10 =	simm.s32 @p1 $0x1;
	s7 =	sadd.s32 @p1 $0xC8, s5;
	s9 =	simm.s32 @p1 $0x15F80  }
0x71: {  	[tilespmem:s9], [sflag:$0x4] =	stream.indirect.gather @p1 [spmem:s2], $0x80, s7, s8, $0xb8;
	[tilespmem:$0x1C380] =	vst v63  }
0x72: {  	s11 =	simm.s32 @p1 $0x0;
	_ =	swait.ge @p1 [sflag:s10], $0x6400  }
0x73: {  	s7 =	sadd.s32 @p1 s4, s14;
	s8 =	simm.s32 @p1 $0x3380;
	[sflag:s10] =	ssyncset.done @p1 $0x0  }
0x74: {  	s9 =	sadd.s32 @p1 $0xFFFFE700, s7;
	[sflag:s10] =	ssyncadd.s32 @p1 $0xFFFF9C00;
	s10 =	simm.s32 @p1 $0x2  }
0x75: {  	[hbm4b:s9+s11] =	stream.linear.scatter @p1 [tilespmem:s8], [sflag:$0x5], $0x6400, $0x38;
	[tilespmem:$0x1C380] =	vst v63  }
0x76: {  	p2 =	slt.u32 @!p1 s6, $0x2;
	_ =	swait.ge @p1 [sflag:s10], $0x6400  }
0x77: {  	p2 =	por p2, p1;
	s6 =	sadd.s32 @p1 $0xFFFFF380, s7;
	[sflag:s10] =	ssyncset.done @p1 $0x0  }
0x78: {  	s7 =	simm.s32 @p1 $0x9780;
	s8 =	simm.s32 @!p2 $0x5;
	[sflag:s10] =	ssyncadd.s32 @p1 $0xFFFF9C00  }
0x79: {  	[hbm4b:s6+s11] =	stream.linear.scatter @p1 [tilespmem:s7], [sflag:$0x6], $0x6400, $0x38;
	[tilespmem:$0x1C380] =	vst v63  }
0x7a: {  	_ =	swait.ge @!p2 [sflag:s8], $0x6400  }
0x7b: {  	[sflag:s8] =	ssyncset.done @!p2 $0x0  }
0x7c: {  	s6 =	simm.s32 @!p2 $0x6;
	[sflag:s8] =	ssyncadd.s32 @!p2 $0xFFFF9C00  }
0x7d: {  	_ =	swait.ge @!p2 [sflag:s6], $0x6400  }
0x7e: {  	p3 =	seq.s32 @!p1 s4, $0x0;
	[sflag:s6] =	ssyncset.done @!p2 $0x0  }
0x7f: {  	s7 =	simm.s32 @!p1 $0x3380;
	[sflag:s6] =	ssyncadd.s32 @!p2 $0xFFFF9C00;
	s6 =	simm.s32 @!p1 $0xC8  }
0x80: {  	[tilespmem:s7], [sflag:$0x1] =	stream.indirect.gather @!p1 [spmem:s2], $0x80, s5, s6, $0xb8;
	[tilespmem:$0x1C380] =	vst v63  }
0x81: {  	p2 =	por p3, p1;
	s7 =	simm.s32 @!p1 $0x9780;
	s5 =	sadd.s32 @!p1 $0xC8, s5  }
0x82: {  	[tilespmem:s7], [sflag:$0x2] =	stream.indirect.gather @!p1 [spmem:s2], $0x80, s5, s6, $0xb8;
	[tilespmem:$0x1C380] =	vst v63  }
0x83: {  	s5 =	simm.s32 @!p2 $0x3  }
0x84: {  	s4 =	sadd.s32 @!p2 s4, s14;
	_ =	swait.ge @!p2 [sflag:s5], $0x6400  }
0x85: {  	s8 =	simm.s32 @!p2 $0x0;
	s6 =	simm.s32 @!p2 $0xFB80;
	[sflag:s5] =	ssyncset.done @!p2 $0x0  }
0x86: {  	s7 =	sadd.s32 @!p2 $0xFFFFE700, s4;
	[sflag:s5] =	ssyncadd.s32 @!p2 $0xFFFF9C00;
	s5 =	simm.s32 @!p2 $0x4  }
0x87: {  	[hbm4b:s7+s8] =	stream.linear.scatter @!p2 [tilespmem:s6], [sflag:$0x7], $0x6400, $0x38;
	[tilespmem:$0x1C380] =	vst v63  }
0x88: {  	_ =	swait.ge @!p2 [sflag:s5], $0x6400  }
0x89: {  	s4 =	sadd.s32 @!p2 $0xFFFFF380, s4;
	[sflag:s5] =	ssyncset.done @!p2 $0x0  }
0x8a: {  	s6 =	simm.s32 @!p2 $0x15F80;
	s7 =	simm.s32 $0x1;
	[sflag:s5] =	ssyncadd.s32 @!p2 $0xFFFF9C00  }
0x8b: {  	[hbm4b:s4+s8] =	stream.linear.scatter @!p2 [tilespmem:s6], [sflag:$0x8], $0x6400, $0x38;
	[tilespmem:$0x1C380] =	vst v63  }
0x8c: {  	_ =	swait.ge [sflag:s7], $0x6400  }
0x8d: {  	[sflag:s7] =	ssyncset.done $0x0  }
0x8e: {  	s8 =	simm.s32 $0x0;
	s9 =	rddreg [dreg:$0x6];
	[sflag:s7] =	ssyncadd.s32 $0xFFFF9C00  }
0x8f: {  	[hbm4b:s9+s8] =	stream.linear.scatter [tilespmem:s17], [sflag:$0x5], $0x6400, $0x38;
	[tilespmem:$0x1C380] =	vst v63  }
0x90: {  	_ =	swait.ge [sflag:s18], $0x6400  }
0x91: {  	[sflag:s18] =	ssyncset.done $0x0  }
0x92: {  	s10 =	rddreg [dreg:$0x7];
	[sflag:s18] =	ssyncadd.s32 $0xFFFF9C00  }
0x93: {  	[hbm4b:s10+s8] =	stream.linear.scatter [tilespmem:s19], [sflag:$0x6], $0x6400, $0x38;
	[tilespmem:$0x1C380] =	vst v63  }
0x94: {  	s11 =	rddreg [dreg:$0x8]  }
0x95: {  	[tilespmem:s20], [sflag:$0x9] =	stream.linear.gather [hbm4b:s11+s8], $0x2710, $0x38;
	[tilespmem:$0x1C380] =	vst v63  }
0x96: {  	_ =	swait.ge [sflag:s16], $0x2710  }
0x97: {  	[sflag:s16] =	ssyncset.done $0x0  }
0x98: {  	[sflag:s16] =	ssyncadd.s32 $0xFFFFD8F0  }
0x99: {  	_ =	swait.ge [sflag:s21], $0x6400  }
0x9a: {  	[sflag:s21] =	ssyncset.done $0x0  }
0x9b: {  	[sflag:s21] =	ssyncadd.s32 $0xFFFF9C00  }
0x9c: {  	_ =	swait.ge [sflag:s22], $0x6400  }
0x9d: {  	s4 =	sand.u32 $0x1, s7;
	[sflag:s22] =	ssyncset.done $0x0  }
0x9e: {  	s12 =	simm.s32 $0xFB80;
	p1 =	seq.s32 s4, $0x1;
	[sflag:s22] =	ssyncadd.s32 $0xFFFF9C00  }
0x9f: {  	[tilespmem:s12], [sflag:$0x3] =	stream.indirect.gather [spmem:s2], $0x80, s20, s23, $0xb8;
	[tilespmem:$0x1C380] =	vst v63  }
0xa0: {  	s4 =	simm.s32 @p1 $0x5  }
0xa1: {  	[tilespmem:s26], [sflag:$0x4] =	stream.indirect.gather [spmem:s2], $0x80, s25, s23, $0xb8;
	[tilespmem:$0x1C380] =	vst v63  }
0xa2: {  	_ =	swait.ge @p1 [sflag:s4], $0x6400;
	p1 =	por p1, p1  }
0xa3: {  	[sflag:s4] =	ssyncset.done @p1 $0x0  }
0xa4: {  	[sflag:s4] =	ssyncadd.s32 @p1 $0xFFFF9C00;
	s4 =	simm.s32 @p1 $0x6  }
0xa5: {  	_ =	swait.ge @p1 [sflag:s4], $0x6400  }
0xa6: {  	s5 =	simm.s32 $0xD90;
	[sflag:s4] =	ssyncset.done @p1 $0x0  }
0xa7: {  	s6 =	simm.s32 @p1 $0x3380;
	[sflag:s4] =	ssyncadd.s32 @p1 $0xFFFF9C00;
	s4 =	simm.s32 @p1 $0xC8  }
0xa8: {  	[tilespmem:s6], [sflag:$0x1] =	stream.indirect.gather @p1 [spmem:s2], $0x80, s5, s4, $0xb8;
	[tilespmem:$0x1C380] =	vst v63  }
0xa9: {  	s7 =	simm.s32 @p1 $0x9780;
	s8 =	simm.s32 @p1 $0x3;
	s6 =	simm.s32 $0xE58  }
0xaa: {  	[tilespmem:s7], [sflag:$0x2] =	stream.indirect.gather @p1 [spmem:s2], $0x80, s6, s4, $0xb8;
	[tilespmem:$0x1C380] =	vst v63  }
0xab: {  	s13 =	sadd.s32 $0x0, s14;
	_ =	swait.ge @p1 [sflag:s8], $0x6400  }
0xac: {  	s11 =	sadd.s32 $0x4E2000, s13;
	s9 =	simm.s32 @p1 $0x4;
	[sflag:s8] =	ssyncset.done @p1 $0x0  }
0xad: {  	s10 =	simm.s32 @p1 $0x0;
	s4 =	simm.s32 @p1 $0xFB80;
	[sflag:s8] =	ssyncadd.s32 @p1 $0xFFFF9C00  }
0xae: {  	[hbm4b:s11+s10] =	stream.linear.scatter @p1 [tilespmem:s4], [sflag:$0x7], $0x6400, $0x38;
	[tilespmem:$0x1C380] =	vst v63  }
0xaf: {  	_ =	swait.ge @p1 [sflag:s9], $0x6400  }
0xb0: {  	s7 =	simm.s32 @!p1 $0x7;
	[sflag:s9] =	ssyncset.done @p1 $0x0  }
0xb1: {  	s8 =	sadd.s32 $0x4E2C80, s13;
	s4 =	simm.s32 @p1 $0x15F80;
	[sflag:s9] =	ssyncadd.s32 @p1 $0xFFFF9C00  }
0xb2: {  	[hbm4b:s8+s10] =	stream.linear.scatter @p1 [tilespmem:s4], [sflag:$0x8], $0x6400, $0x38;
	[tilespmem:$0x1C380] =	vst v63  }
0xb3: {  	_ =	swait.ge @!p1 [sflag:s7], $0x6400  }
0xb4: {  	[sflag:s7] =	ssyncset.done @!p1 $0x0  }
0xb5: {  	s4 =	simm.s32 @!p1 $0x8;
	[sflag:s7] =	ssyncadd.s32 @!p1 $0xFFFF9C00  }
0xb6: {  	_ =	swait.ge @!p1 [sflag:s4], $0x6400  }
0xb7: {  	[sflag:s4] =	ssyncset.done @!p1 $0x0  }
0xb8: {  	s7 =	simm.s32 @!p1 $0xFB80;
	[sflag:s4] =	ssyncadd.s32 @!p1 $0xFFFF9C00;
	s4 =	simm.s32 @!p1 $0xC8  }
0xb9: {  	[tilespmem:s7], [sflag:$0x3] =	stream.indirect.gather @!p1 [spmem:s2], $0x80, s5, s4, $0xb8;
	[tilespmem:$0x1C380] =	vst v63  }
0xba: {  	s10 =	simm.s32 @!p1 $0x1;
	s5 =	simm.s32 @!p1 $0x15F80  }
0xbb: {  	[tilespmem:s5], [sflag:$0x4] =	stream.indirect.gather @!p1 [spmem:s2], $0x80, s6, s4, $0xb8;
	[tilespmem:$0x1C380] =	vst v63  }
0xbc: {  	s9 =	simm.s32 @!p1 $0x2;
	s7 =	simm.s32 $0x2;
	_ =	swait.ge @!p1 [sflag:s10], $0x6400  }
0xbd: {  	s24 =	sand.u32 $0x1, s7;
	s5 =	simm.s32 $0x1900;
	[sflag:s10] =	ssyncset.done @!p1 $0x0  }
0xbe: {  	s4 =	simm.s32 @!p1 $0x3380;
	[sflag:s10] =	ssyncadd.s32 @!p1 $0xFFFF9C00;
	s10 =	simm.s32 @!p1 $0x0  }
0xbf: {  	[hbm4b:s11+s10] =	stream.linear.scatter @!p1 [tilespmem:s4], [sflag:$0x5], $0x6400, $0x38;
	[tilespmem:$0x1C380] =	vst v63  }
0xc0: {  	s6 =	simm.s32 $0x3200;
	p3 =	seq.s32 s24, $0x1;
	_ =	swait.ge @!p1 [sflag:s9], $0x6400  }
0xc1: {  	s4 =	simm.s32 $0xFE8;
	s11 =	simm.s32 @!p1 $0x9780;
	[sflag:s9] =	ssyncset.done @!p1 $0x0  }
.LBB2_4:
0xc2: {  	s12 =	simm.s32 @p3 $0x5  }
0xc3: {  	[sflag:s9] =	ssyncadd.s32 @!p1 $0xFFFF9C00;
	s9 =	smov.u32 s6;
	s6 =	sadd.s32 $0x1900, s6  }
0xc4: {  	[hbm4b:s8+s10] =	stream.linear.scatter @!p1 [tilespmem:s11], [sflag:$0x6], $0x6400, $0x38;
	[tilespmem:$0x1C380] =	vst v63  }
0xc5: {  	p2 =	sne.s32 s6, $0x25800;
	p1 =	por p3, p3;
	_ =	swait.ge @p3 [sflag:s12], $0x6400  }
0xc6: {  	[sflag:s12] =	ssyncset.done @p1 $0x0  }
0xc7: {  	s8 =	simm.s32 @p1 $0x6;
	[sflag:s12] =	ssyncadd.s32 @p1 $0xFFFF9C00  }
0xc8: {  	_ =	swait.ge @p1 [sflag:s8], $0x6400  }
0xc9: {  	s10 =	sadd.s32 $0xFFFFFF38, s4;
	[sflag:s8] =	ssyncset.done @p1 $0x0  }
0xca: {  	s11 =	simm.s32 @p1 $0x3380;
	[sflag:s8] =	ssyncadd.s32 @p1 $0xFFFF9C00;
	s8 =	simm.s32 @p1 $0xC8  }
0xcb: {  	[tilespmem:s11], [sflag:$0x1] =	stream.indirect.gather @p1 [spmem:s2], $0x80, s10, s8, $0xb8;
	[tilespmem:$0x1C380] =	vst v63  }
0xcc: {  	s12 =	simm.s32 @p1 $0x3;
	s11 =	simm.s32 @p1 $0x9780  }
0xcd: {  	[tilespmem:s11], [sflag:$0x2] =	stream.indirect.gather @p1 [spmem:s2], $0x80, s4, s8, $0xb8;
	[tilespmem:$0x1C380] =	vst v63  }
0xce: {  	s8 =	simm.s32 @p1 $0xFB80;
	_ =	swait.ge @p1 [sflag:s12], $0x6400  }
0xcf: {  	s13 =	simm.s32 @p1 $0x4;
	s11 =	sadd.s32 s5, s14;
	[sflag:s12] =	ssyncset.done @p1 $0x0  }
0xd0: {  	s24 =	sadd.s32 $0x4E2000, s11;
	[sflag:s12] =	ssyncadd.s32 @p1 $0xFFFF9C00;
	s12 =	simm.s32 @p1 $0x0  }
0xd1: {  	[hbm4b:s24+s12] =	stream.linear.scatter @p1 [tilespmem:s8], [sflag:$0x7], $0x6400, $0x38;
	[tilespmem:$0x1C380] =	vst v63  }
0xd2: {  	s5 =	smov.u32 s9;
	_ =	swait.ge @p1 [sflag:s13], $0x6400  }
0xd3: {  	s8 =	sadd.s32 $0x4E2C80, s11;
	[sflag:s13] =	ssyncset.done @p1 $0x0  }
0xd4: {  	s9 =	simm.s32 @p1 $0x15F80;
	s11 =	simm.s32 @!p1 $0x7;
	[sflag:s13] =	ssyncadd.s32 @p1 $0xFFFF9C00  }
0xd5: {  	[hbm4b:s8+s12] =	stream.linear.scatter @p1 [tilespmem:s9], [sflag:$0x8], $0x6400, $0x38;
	[tilespmem:$0x1C380] =	vst v63  }
0xd6: {  	_ =	swait.ge @!p1 [sflag:s11], $0x6400  }
0xd7: {  	[sflag:s11] =	ssyncset.done @!p1 $0x0  }
0xd8: {  	s9 =	simm.s32 @!p1 $0x8;
	[sflag:s11] =	ssyncadd.s32 @!p1 $0xFFFF9C00  }
0xd9: {  	_ =	swait.ge @!p1 [sflag:s9], $0x6400  }
0xda: {  	[sflag:s9] =	ssyncset.done @!p1 $0x0  }
0xdb: {  	s11 =	simm.s32 @!p1 $0xFB80;
	[sflag:s9] =	ssyncadd.s32 @!p1 $0xFFFF9C00;
	s9 =	simm.s32 @!p1 $0xC8  }
0xdc: {  	[tilespmem:s11], [sflag:$0x3] =	stream.indirect.gather @!p1 [spmem:s2], $0x80, s10, s9, $0xb8;
	[tilespmem:$0x1C380] =	vst v63  }
0xdd: {  	s10 =	simm.s32 @!p1 $0x15F80;
	s11 =	simm.s32 @!p1 $0x1  }
0xde: {  	[tilespmem:s10], [sflag:$0x4] =	stream.indirect.gather @!p1 [spmem:s2], $0x80, s4, s9, $0xb8;
	[tilespmem:$0x1C380] =	vst v63  }
0xdf: {  	s7 =	sadd.s32 $0x1, s7;
	_ =	swait.ge @!p1 [sflag:s11], $0x6400  }
.Ltmp1:
0xe0: {  	s9 =	simm.s32 @!p1 $0x2;
	[sflag:s11] =	ssyncset.done @!p1 $0x0;
	(pc) =	sbr.rel @p2 .LBB2_4-.Ltmp1, $4  }
0xe1: {  	s10 =	simm.s32 @!p1 $0x0;
	[sflag:s11] =	ssyncadd.s32 @!p1 $0xFFFF9C00;
	s11 =	simm.s32 @!p1 $0x3380  }
0xe2: {  	[hbm4b:s24+s10] =	stream.linear.scatter @!p1 [tilespmem:s11], [sflag:$0x5], $0x6400, $0x38;
	[tilespmem:$0x1C380] =	vst v63  }
0xe3: {  	s4 =	sadd.s32 $0x190, s4;
	s11 =	sand.u32 $0x1, s7;
	_ =	swait.ge @!p1 [sflag:s9], $0x6400  }
0xe4: {  	p3 =	seq.s32 s11, $0x1;
	s11 =	simm.s32 @!p1 $0x9780;
	[sflag:s9] =	ssyncset.done @!p1 $0x0  }
0xe5: {  	s6 =	simm.s32 @p3 $0x5;
	[sflag:s9] =	ssyncadd.s32 @!p1 $0xFFFF9C00  }
0xe6: {  	[hbm4b:s8+s10] =	stream.linear.scatter @!p1 [tilespmem:s11], [sflag:$0x6], $0x6400, $0x38;
	[tilespmem:$0x1C380] =	vst v63  }
0xe7: {  	p1 =	por p3, p3;
	_ =	swait.ge @p3 [sflag:s6], $0x6400  }
0xe8: {  	[sflag:s6] =	ssyncset.done @p1 $0x0  }
0xe9: {  	[sflag:s6] =	ssyncadd.s32 @p1 $0xFFFF9C00;
	s6 =	simm.s32 @p1 $0x6  }
0xea: {  	_ =	swait.ge @p1 [sflag:s6], $0x6400  }
0xeb: {  	s7 =	sadd.s32 $0xFFFFFF38, s4;
	[sflag:s6] =	ssyncset.done @p1 $0x0  }
0xec: {  	s8 =	simm.s32 @p1 $0x3380;
	[sflag:s6] =	ssyncadd.s32 @p1 $0xFFFF9C00;
	s6 =	simm.s32 @p1 $0xC8  }
0xed: {  	[tilespmem:s8], [sflag:$0x1] =	stream.indirect.gather @p1 [spmem:s2], $0x80, s7, s6, $0xb8;
	[tilespmem:$0x1C380] =	vst v63  }
0xee: {  	s9 =	simm.s32 @p1 $0x3;
	s8 =	simm.s32 @p1 $0x9780  }
0xef: {  	[tilespmem:s8], [sflag:$0x2] =	stream.indirect.gather @p1 [spmem:s2], $0x80, s4, s6, $0xb8;
	[tilespmem:$0x1C380] =	vst v63  }
0xf0: {  	s5 =	sadd.s32 s5, s14;
	_ =	swait.ge @p1 [sflag:s9], $0x6400  }
0xf1: {  	s10 =	sadd.s32 $0x4E2000, s5;
	s6 =	simm.s32 @p1 $0xFB80;
	[sflag:s9] =	ssyncset.done @p1 $0x0  }
0xf2: {  	s8 =	simm.s32 @p1 $0x4;
	[sflag:s9] =	ssyncadd.s32 @p1 $0xFFFF9C00;
	s9 =	simm.s32 @p1 $0x0  }
0xf3: {  	[hbm4b:s10+s9] =	stream.linear.scatter @p1 [tilespmem:s6], [sflag:$0x7], $0x6400, $0x38;
	[tilespmem:$0x1C380] =	vst v63  }
0xf4: {  	_ =	swait.ge @p1 [sflag:s8], $0x6400  }
0xf5: {  	s5 =	sadd.s32 $0x4E2C80, s5;
	[sflag:s8] =	ssyncset.done @p1 $0x0  }
0xf6: {  	s6 =	simm.s32 @p1 $0x15F80;
	[sflag:s8] =	ssyncadd.s32 @p1 $0xFFFF9C00;
	s8 =	simm.s32 @!p1 $0x7  }
0xf7: {  	[hbm4b:s5+s9] =	stream.linear.scatter @p1 [tilespmem:s6], [sflag:$0x8], $0x6400, $0x38;
	[tilespmem:$0x1C380] =	vst v63  }
0xf8: {  	_ =	swait.ge @!p1 [sflag:s8], $0x6400  }
0xf9: {  	[sflag:s8] =	ssyncset.done @!p1 $0x0  }
0xfa: {  	s6 =	simm.s32 @!p1 $0x8;
	[sflag:s8] =	ssyncadd.s32 @!p1 $0xFFFF9C00  }
0xfb: {  	_ =	swait.ge @!p1 [sflag:s6], $0x6400  }
0xfc: {  	[sflag:s6] =	ssyncset.done @!p1 $0x0  }
0xfd: {  	s8 =	simm.s32 @!p1 $0xFB80;
	[sflag:s6] =	ssyncadd.s32 @!p1 $0xFFFF9C00;
	s6 =	simm.s32 @!p1 $0xC8  }
0xfe: {  	[tilespmem:s8], [sflag:$0x3] =	stream.indirect.gather @!p1 [spmem:s2], $0x80, s7, s6, $0xb8;
	[tilespmem:$0x1C380] =	vst v63  }
0xff: {  	s7 =	simm.s32 @!p1 $0x15F80;
	s8 =	simm.s32 @!p1 $0x1  }
0x100: {  	[tilespmem:s7], [sflag:$0x4] =	stream.indirect.gather @!p1 [spmem:s2], $0x80, s4, s6, $0xb8;
	[tilespmem:$0x1C380] =	vst v63  }
0x101: {  	_ =	swait.ge @!p1 [sflag:s8], $0x6400  }
0x102: {  	s4 =	simm.s32 @!p1 $0x2;
	[sflag:s8] =	ssyncset.done @!p1 $0x0  }
0x103: {  	s6 =	simm.s32 @!p1 $0x0;
	s7 =	simm.s32 @!p1 $0x3380;
	[sflag:s8] =	ssyncadd.s32 @!p1 $0xFFFF9C00  }
0x104: {  	[hbm4b:s10+s6] =	stream.linear.scatter @!p1 [tilespmem:s7], [sflag:$0x5], $0x6400, $0x38;
	[tilespmem:$0x1C380] =	vst v63  }
0x105: {  	_ =	swait.ge @!p1 [sflag:s4], $0x6400  }
0x106: {  	[sflag:s4] =	ssyncset.done @!p1 $0x0  }
0x107: {  	s7 =	simm.s32 @!p1 $0x9780;
	[sflag:s4] =	ssyncadd.s32 @!p1 $0xFFFF9C00  }
0x108: {  	[hbm4b:s5+s6] =	stream.linear.scatter @!p1 [tilespmem:s7], [sflag:$0x6], $0x6400, $0x38;
	[tilespmem:$0x1C380] =	vst v63  }
0x109: {  	_ =	swait.ge [sflag:s28], $0x6400  }
0x10a: {  	s9 =	simm.s32 $0xFB80;
	[sflag:s28] =	ssyncset.done $0x0  }
0x10b: {  	s7 =	simm.s32 $0x0;
	s8 =	rddreg [dreg:$0x9];
	[sflag:s28] =	ssyncadd.s32 $0xFFFF9C00  }
0x10c: {  	[hbm4b:s8+s7] =	stream.linear.scatter [tilespmem:s9], [sflag:$0x7], $0x6400, $0x38;
	[tilespmem:$0x1C380] =	vst v63  }
0x10d: {  	_ =	swait.ge [sflag:s29], $0x6400  }
0x10e: {  	[sflag:s29] =	ssyncset.done $0x0  }
0x10f: {  	s10 =	rddreg [dreg:$0xa];
	[sflag:s29] =	ssyncadd.s32 $0xFFFF9C00  }
0x110: {  	[hbm4b:s10+s7] =	stream.linear.scatter [tilespmem:s26], [sflag:$0x8], $0x6400, $0x38;
	[tilespmem:$0x1C380] =	vst v63  }
0x111: {  	s11 =	rddreg [dreg:$0xb]  }
0x112: {  	[tilespmem:s20], [sflag:$0x9] =	stream.linear.gather [hbm4b:s11+s7], $0x2710, $0x38;
	[tilespmem:$0x1C380] =	vst v63  }
0x113: {  	_ =	swait.ge [sflag:s16], $0x2710  }
0x114: {  	[sflag:s16] =	ssyncset.done $0x0  }
0x115: {  	[sflag:s16] =	ssyncadd.s32 $0xFFFFD8F0  }
0x116: {  	_ =	swait.ge [sflag:s30], $0x6400  }
0x117: {  	[sflag:s30] =	ssyncset.done $0x0  }
0x118: {  	[sflag:s30] =	ssyncadd.s32 $0xFFFF9C00  }
0x119: {  	s12 =	simm.s32 $0x1;
	_ =	swait.ge [sflag:s31], $0x6400  }
0x11a: {  	s4 =	sand.u32 $0x1, s12;
	[sflag:s31] =	ssyncset.done $0x0  }
0x11b: {  	p1 =	seq.s32 s4, $0x1;
	[sflag:s31] =	ssyncadd.s32 $0xFFFF9C00  }
0x11c: {  	[tilespmem:s17], [sflag:$0x1] =	stream.indirect.gather [spmem:s2], $0x80, s20, s23, $0xb8;
	[tilespmem:$0x1C380] =	vst v63  }
0x11d: {  	s4 =	simm.s32 @p1 $0x7  }
0x11e: {  	[tilespmem:s19], [sflag:$0x2] =	stream.indirect.gather [spmem:s2], $0x80, s25, s23, $0xb8;
	[tilespmem:$0x1C380] =	vst v63  }
0x11f: {  	_ =	swait.ge @p1 [sflag:s4], $0x6400;
	p1 =	por p1, p1  }
0x120: {  	[sflag:s4] =	ssyncset.done @p1 $0x0  }
0x121: {  	[sflag:s4] =	ssyncadd.s32 @p1 $0xFFFF9C00;
	s4 =	simm.s32 @p1 $0x8  }
0x122: {  	_ =	swait.ge @p1 [sflag:s4], $0x6400  }
0x123: {  	s5 =	simm.s32 $0xD90;
	[sflag:s4] =	ssyncset.done @p1 $0x0  }
0x124: {  	s6 =	simm.s32 @p1 $0xFB80;
	[sflag:s4] =	ssyncadd.s32 @p1 $0xFFFF9C00;
	s4 =	simm.s32 @p1 $0xC8  }
0x125: {  	[tilespmem:s6], [sflag:$0x3] =	stream.indirect.gather @p1 [spmem:s2], $0x80, s5, s4, $0xb8;
	[tilespmem:$0x1C380] =	vst v63  }
0x126: {  	s7 =	simm.s32 @p1 $0x15F80;
	s8 =	simm.s32 @p1 $0x1;
	s6 =	simm.s32 $0xE58  }
0x127: {  	[tilespmem:s7], [sflag:$0x4] =	stream.indirect.gather @p1 [spmem:s2], $0x80, s6, s4, $0xb8;
	[tilespmem:$0x1C380] =	vst v63  }
0x128: {  	s13 =	sadd.s32 $0x0, s14;
	_ =	swait.ge @p1 [sflag:s8], $0x6400  }
0x129: {  	s11 =	sadd.s32 $0x9C4000, s13;
	s9 =	simm.s32 @p1 $0x2;
	[sflag:s8] =	ssyncset.done @p1 $0x0  }
0x12a: {  	s10 =	simm.s32 @p1 $0x0;
	s4 =	simm.s32 @p1 $0x3380;
	[sflag:s8] =	ssyncadd.s32 @p1 $0xFFFF9C00  }
0x12b: {  	[hbm4b:s11+s10] =	stream.linear.scatter @p1 [tilespmem:s4], [sflag:$0x5], $0x6400, $0x38;
	[tilespmem:$0x1C380] =	vst v63  }
0x12c: {  	_ =	swait.ge @p1 [sflag:s9], $0x6400  }
0x12d: {  	s7 =	simm.s32 @!p1 $0x5;
	[sflag:s9] =	ssyncset.done @p1 $0x0  }
0x12e: {  	s8 =	sadd.s32 $0x9C4C80, s13;
	s4 =	simm.s32 @p1 $0x9780;
	[sflag:s9] =	ssyncadd.s32 @p1 $0xFFFF9C00  }
0x12f: {  	[hbm4b:s8+s10] =	stream.linear.scatter @p1 [tilespmem:s4], [sflag:$0x6], $0x6400, $0x38;
	[tilespmem:$0x1C380] =	vst v63  }
0x130: {  	_ =	swait.ge @!p1 [sflag:s7], $0x6400  }
0x131: {  	[sflag:s7] =	ssyncset.done @!p1 $0x0  }
0x132: {  	s4 =	simm.s32 @!p1 $0x6;
	[sflag:s7] =	ssyncadd.s32 @!p1 $0xFFFF9C00  }
0x133: {  	_ =	swait.ge @!p1 [sflag:s4], $0x6400  }
0x134: {  	[sflag:s4] =	ssyncset.done @!p1 $0x0  }
0x135: {  	s7 =	simm.s32 @!p1 $0x3380;
	[sflag:s4] =	ssyncadd.s32 @!p1 $0xFFFF9C00;
	s4 =	simm.s32 @!p1 $0xC8  }
0x136: {  	[tilespmem:s7], [sflag:$0x1] =	stream.indirect.gather @!p1 [spmem:s2], $0x80, s5, s4, $0xb8;
	[tilespmem:$0x1C380] =	vst v63  }
0x137: {  	s10 =	simm.s32 @!p1 $0x3;
	s5 =	simm.s32 @!p1 $0x9780  }
0x138: {  	[tilespmem:s5], [sflag:$0x2] =	stream.indirect.gather @!p1 [spmem:s2], $0x80, s6, s4, $0xb8;
	[tilespmem:$0x1C380] =	vst v63  }
0x139: {  	s9 =	simm.s32 @!p1 $0x4;
	s7 =	simm.s32 $0x2;
	_ =	swait.ge @!p1 [sflag:s10], $0x6400  }
0x13a: {  	s24 =	sand.u32 $0x1, s7;
	s5 =	simm.s32 $0x1900;
	[sflag:s10] =	ssyncset.done @!p1 $0x0  }
0x13b: {  	s4 =	simm.s32 @!p1 $0xFB80;
	[sflag:s10] =	ssyncadd.s32 @!p1 $0xFFFF9C00;
	s10 =	simm.s32 @!p1 $0x0  }
0x13c: {  	[hbm4b:s11+s10] =	stream.linear.scatter @!p1 [tilespmem:s4], [sflag:$0x7], $0x6400, $0x38;
	[tilespmem:$0x1C380] =	vst v63  }
0x13d: {  	s6 =	simm.s32 $0x3200;
	p3 =	seq.s32 s24, $0x1;
	_ =	swait.ge @!p1 [sflag:s9], $0x6400  }
0x13e: {  	s4 =	simm.s32 $0xFE8;
	s11 =	simm.s32 @!p1 $0x15F80;
	[sflag:s9] =	ssyncset.done @!p1 $0x0  }
.LBB2_6:
0x13f: {  	s12 =	simm.s32 @p3 $0x7  }
0x140: {  	[sflag:s9] =	ssyncadd.s32 @!p1 $0xFFFF9C00;
	s9 =	smov.u32 s6;
	s6 =	sadd.s32 $0x1900, s6  }
0x141: {  	[hbm4b:s8+s10] =	stream.linear.scatter @!p1 [tilespmem:s11], [sflag:$0x8], $0x6400, $0x38;
	[tilespmem:$0x1C380] =	vst v63  }
0x142: {  	p2 =	sne.s32 s6, $0x25800;
	p1 =	por p3, p3;
	_ =	swait.ge @p3 [sflag:s12], $0x6400  }
0x143: {  	[sflag:s12] =	ssyncset.done @p1 $0x0  }
0x144: {  	s8 =	simm.s32 @p1 $0x8;
	[sflag:s12] =	ssyncadd.s32 @p1 $0xFFFF9C00  }
0x145: {  	_ =	swait.ge @p1 [sflag:s8], $0x6400  }
0x146: {  	s10 =	sadd.s32 $0xFFFFFF38, s4;
	[sflag:s8] =	ssyncset.done @p1 $0x0  }
0x147: {  	s11 =	simm.s32 @p1 $0xFB80;
	[sflag:s8] =	ssyncadd.s32 @p1 $0xFFFF9C00;
	s8 =	simm.s32 @p1 $0xC8  }
0x148: {  	[tilespmem:s11], [sflag:$0x3] =	stream.indirect.gather @p1 [spmem:s2], $0x80, s10, s8, $0xb8;
	[tilespmem:$0x1C380] =	vst v63  }
0x149: {  	s12 =	simm.s32 @p1 $0x1;
	s11 =	simm.s32 @p1 $0x15F80  }
0x14a: {  	[tilespmem:s11], [sflag:$0x4] =	stream.indirect.gather @p1 [spmem:s2], $0x80, s4, s8, $0xb8;
	[tilespmem:$0x1C380] =	vst v63  }
0x14b: {  	s8 =	simm.s32 @p1 $0x3380;
	_ =	swait.ge @p1 [sflag:s12], $0x6400  }
0x14c: {  	s13 =	simm.s32 @p1 $0x2;
	s11 =	sadd.s32 s5, s14;
	[sflag:s12] =	ssyncset.done @p1 $0x0  }
0x14d: {  	s24 =	sadd.s32 $0x9C4000, s11;
	[sflag:s12] =	ssyncadd.s32 @p1 $0xFFFF9C00;
	s12 =	simm.s32 @p1 $0x0  }
0x14e: {  	[hbm4b:s24+s12] =	stream.linear.scatter @p1 [tilespmem:s8], [sflag:$0x5], $0x6400, $0x38;
	[tilespmem:$0x1C380] =	vst v63  }
0x14f: {  	s5 =	smov.u32 s9;
	_ =	swait.ge @p1 [sflag:s13], $0x6400  }
0x150: {  	s8 =	sadd.s32 $0x9C4C80, s11;
	[sflag:s13] =	ssyncset.done @p1 $0x0  }
0x151: {  	s9 =	simm.s32 @p1 $0x9780;
	s11 =	simm.s32 @!p1 $0x5;
	[sflag:s13] =	ssyncadd.s32 @p1 $0xFFFF9C00  }
0x152: {  	[hbm4b:s8+s12] =	stream.linear.scatter @p1 [tilespmem:s9], [sflag:$0x6], $0x6400, $0x38;
	[tilespmem:$0x1C380] =	vst v63  }
0x153: {  	_ =	swait.ge @!p1 [sflag:s11], $0x6400  }
0x154: {  	[sflag:s11] =	ssyncset.done @!p1 $0x0  }
0x155: {  	s9 =	simm.s32 @!p1 $0x6;
	[sflag:s11] =	ssyncadd.s32 @!p1 $0xFFFF9C00  }
0x156: {  	_ =	swait.ge @!p1 [sflag:s9], $0x6400  }
0x157: {  	[sflag:s9] =	ssyncset.done @!p1 $0x0  }
0x158: {  	s11 =	simm.s32 @!p1 $0x3380;
	[sflag:s9] =	ssyncadd.s32 @!p1 $0xFFFF9C00;
	s9 =	simm.s32 @!p1 $0xC8  }
0x159: {  	[tilespmem:s11], [sflag:$0x1] =	stream.indirect.gather @!p1 [spmem:s2], $0x80, s10, s9, $0xb8;
	[tilespmem:$0x1C380] =	vst v63  }
0x15a: {  	s10 =	simm.s32 @!p1 $0x9780;
	s11 =	simm.s32 @!p1 $0x3  }
0x15b: {  	[tilespmem:s10], [sflag:$0x2] =	stream.indirect.gather @!p1 [spmem:s2], $0x80, s4, s9, $0xb8;
	[tilespmem:$0x1C380] =	vst v63  }
0x15c: {  	s7 =	sadd.s32 $0x1, s7;
	_ =	swait.ge @!p1 [sflag:s11], $0x6400  }
.Ltmp2:
0x15d: {  	s9 =	simm.s32 @!p1 $0x4;
	[sflag:s11] =	ssyncset.done @!p1 $0x0;
	(pc) =	sbr.rel @p2 .LBB2_6-.Ltmp2, $4  }
0x15e: {  	s10 =	simm.s32 @!p1 $0x0;
	[sflag:s11] =	ssyncadd.s32 @!p1 $0xFFFF9C00;
	s11 =	simm.s32 @!p1 $0xFB80  }
0x15f: {  	[hbm4b:s24+s10] =	stream.linear.scatter @!p1 [tilespmem:s11], [sflag:$0x7], $0x6400, $0x38;
	[tilespmem:$0x1C380] =	vst v63  }
0x160: {  	s4 =	sadd.s32 $0x190, s4;
	s11 =	sand.u32 $0x1, s7;
	_ =	swait.ge @!p1 [sflag:s9], $0x6400  }
0x161: {  	p3 =	seq.s32 s11, $0x1;
	s11 =	simm.s32 @!p1 $0x15F80;
	[sflag:s9] =	ssyncset.done @!p1 $0x0  }
0x162: {  	s6 =	simm.s32 @p3 $0x7;
	[sflag:s9] =	ssyncadd.s32 @!p1 $0xFFFF9C00  }
0x163: {  	[hbm4b:s8+s10] =	stream.linear.scatter @!p1 [tilespmem:s11], [sflag:$0x8], $0x6400, $0x38;
	[tilespmem:$0x1C380] =	vst v63  }
0x164: {  	p1 =	por p3, p3;
	_ =	swait.ge @p3 [sflag:s6], $0x6400  }
0x165: {  	[sflag:s6] =	ssyncset.done @p1 $0x0  }
0x166: {  	[sflag:s6] =	ssyncadd.s32 @p1 $0xFFFF9C00;
	s6 =	simm.s32 @p1 $0x8  }
0x167: {  	_ =	swait.ge @p1 [sflag:s6], $0x6400  }
0x168: {  	s7 =	sadd.s32 $0xFFFFFF38, s4;
	[sflag:s6] =	ssyncset.done @p1 $0x0  }
0x169: {  	s8 =	simm.s32 @p1 $0xFB80;
	[sflag:s6] =	ssyncadd.s32 @p1 $0xFFFF9C00;
	s6 =	simm.s32 @p1 $0xC8  }
0x16a: {  	[tilespmem:s8], [sflag:$0x3] =	stream.indirect.gather @p1 [spmem:s2], $0x80, s7, s6, $0xb8;
	[tilespmem:$0x1C380] =	vst v63  }
0x16b: {  	s9 =	simm.s32 @p1 $0x1;
	s8 =	simm.s32 @p1 $0x15F80  }
0x16c: {  	[tilespmem:s8], [sflag:$0x4] =	stream.indirect.gather @p1 [spmem:s2], $0x80, s4, s6, $0xb8;
	[tilespmem:$0x1C380] =	vst v63  }
0x16d: {  	s5 =	sadd.s32 s5, s14;
	_ =	swait.ge @p1 [sflag:s9], $0x6400  }
0x16e: {  	s10 =	sadd.s32 $0x9C4000, s5;
	s6 =	simm.s32 @p1 $0x3380;
	[sflag:s9] =	ssyncset.done @p1 $0x0  }
0x16f: {  	s8 =	simm.s32 @p1 $0x2;
	[sflag:s9] =	ssyncadd.s32 @p1 $0xFFFF9C00;
	s9 =	simm.s32 @p1 $0x0  }
0x170: {  	[hbm4b:s10+s9] =	stream.linear.scatter @p1 [tilespmem:s6], [sflag:$0x5], $0x6400, $0x38;
	[tilespmem:$0x1C380] =	vst v63  }
0x171: {  	_ =	swait.ge @p1 [sflag:s8], $0x6400  }
0x172: {  	s5 =	sadd.s32 $0x9C4C80, s5;
	[sflag:s8] =	ssyncset.done @p1 $0x0  }
0x173: {  	s6 =	simm.s32 @p1 $0x9780;
	[sflag:s8] =	ssyncadd.s32 @p1 $0xFFFF9C00;
	s8 =	simm.s32 @!p1 $0x5  }
0x174: {  	[hbm4b:s5+s9] =	stream.linear.scatter @p1 [tilespmem:s6], [sflag:$0x6], $0x6400, $0x38;
	[tilespmem:$0x1C380] =	vst v63  }
0x175: {  	_ =	swait.ge @!p1 [sflag:s8], $0x6400  }
0x176: {  	[sflag:s8] =	ssyncset.done @!p1 $0x0  }
0x177: {  	s6 =	simm.s32 @!p1 $0x6;
	[sflag:s8] =	ssyncadd.s32 @!p1 $0xFFFF9C00  }
0x178: {  	_ =	swait.ge @!p1 [sflag:s6], $0x6400  }
0x179: {  	[sflag:s6] =	ssyncset.done @!p1 $0x0  }
0x17a: {  	s8 =	simm.s32 @!p1 $0x3380;
	[sflag:s6] =	ssyncadd.s32 @!p1 $0xFFFF9C00;
	s6 =	simm.s32 @!p1 $0xC8  }
0x17b: {  	[tilespmem:s8], [sflag:$0x1] =	stream.indirect.gather @!p1 [spmem:s2], $0x80, s7, s6, $0xb8;
	[tilespmem:$0x1C380] =	vst v63  }
0x17c: {  	s7 =	simm.s32 @!p1 $0x9780;
	s8 =	simm.s32 @!p1 $0x3  }
0x17d: {  	[tilespmem:s7], [sflag:$0x2] =	stream.indirect.gather @!p1 [spmem:s2], $0x80, s4, s6, $0xb8;
	[tilespmem:$0x1C380] =	vst v63  }
0x17e: {  	_ =	swait.ge @!p1 [sflag:s8], $0x6400  }
0x17f: {  	s4 =	simm.s32 @!p1 $0x4;
	[sflag:s8] =	ssyncset.done @!p1 $0x0  }
0x180: {  	s6 =	simm.s32 @!p1 $0x0;
	s7 =	simm.s32 @!p1 $0xFB80;
	[sflag:s8] =	ssyncadd.s32 @!p1 $0xFFFF9C00  }
0x181: {  	[hbm4b:s10+s6] =	stream.linear.scatter @!p1 [tilespmem:s7], [sflag:$0x7], $0x6400, $0x38;
	[tilespmem:$0x1C380] =	vst v63  }
0x182: {  	_ =	swait.ge @!p1 [sflag:s4], $0x6400  }
0x183: {  	[sflag:s4] =	ssyncset.done @!p1 $0x0  }
0x184: {  	s7 =	simm.s32 @!p1 $0x15F80;
	[sflag:s4] =	ssyncadd.s32 @!p1 $0xFFFF9C00  }
0x185: {  	[hbm4b:s5+s6] =	stream.linear.scatter @!p1 [tilespmem:s7], [sflag:$0x8], $0x6400, $0x38;
	[tilespmem:$0x1C380] =	vst v63  }
0x186: {  	_ =	swait.ge [sflag:s1], $0x6400  }
0x187: {  	[sflag:s1] =	ssyncset.done $0x0  }
0x188: {  	s12 =	rddreg [dreg:$0xc];
	[sflag:s1] =	ssyncadd.s32 $0xFFFF9C00  }
0x189: {  	[hbm4b:s12+s3] =	stream.linear.scatter [tilespmem:s17], [sflag:$0x5], $0x6400, $0x38;
	[tilespmem:$0x1C380] =	vst v63  }
0x18a: {  	_ =	swait.ge [sflag:s18], $0x6400  }
0x18b: {  	[sflag:s18] =	ssyncset.done $0x0  }
0x18c: {  	s13 =	rddreg [dreg:$0xd];
	[sflag:s18] =	ssyncadd.s32 $0xFFFF9C00  }
0x18d: {  	[hbm4b:s13+s3] =	stream.linear.scatter [tilespmem:s19], [sflag:$0x6], $0x6400, $0x38;
	[tilespmem:$0x1C380] =	vst v63  }
0x18e: {  	_ =	swait.ge [sflag:s30], $0x6400  }
0x18f: {  	[sflag:s30] =	ssyncset.done $0x0  }
0x190: {  	[sflag:s30] =	ssyncadd.s32 $0xFFFF9C00  }
0x191: {  	_ =	swait.ge [sflag:s31], $0x6400  }
0x192: {  	[sflag:s31] =	ssyncset.done $0x0  }
0x193: {  	[sflag:s31] =	ssyncadd.s32 $0xFFFF9C00  }
0x194: {  	_ =	swait.ge [sflag:s21], $0x6400  }
0x195: {  	[sflag:s21] =	ssyncset.done $0x0  }
0x196: {  	[sflag:s21] =	ssyncadd.s32 $0xFFFF9C00  }
0x197: {  	_ =	swait.ge [sflag:s22], $0x6400  }
0x198: {  	s0 =	sadd.s32 $0x1, s0;
	s24 =	rddreg [dreg:$0xe]  }
0x199: {  	p1 =	sne.s32 s0, s24  }
.Ltmp3:
0x19a: {  	_ = 	snop;
	(pc) =	sbr.rel @p1 .LBB2_1-.Ltmp3, $3  }
0x19b: {  	_ =	sdelay $0x1  }
0x19c: {  	[sflag:s22] =	ssyncset.done $0x0  }
0x19d: {  	[sflag:s22] =	ssyncadd.s32 $0xFFFF9C00  }
0x19e: {  	_ =	sfence.sel $0x180000  }
0x19f: {  	[bflag:$0x0] =	sbarrier.arrive $0xFFFF  }
0x1a0: {  	_ =	strace $0x90000047  }
0x1a1: {  	[bflag:$0x2] =	sbarrier.arrive $0xFFFF  }
0x1a2: {  	s0 =	rddreg [dreg:$0x4]  }
0x1a3: {  	s0 =	sadd.s32 @!p0 $0x100000, s0  }
0x1a4: {  	[sflag:s0] =	ssyncadd.tile.s32 @!p0 $0x1;
	_ =	shalt  }
.Lfunc_end2:
_tile_overlayer_lowered:
.L_overlay_start_2:
0x1a5: {  	(tag) =	ssettag $0x2  }
0x1a6: {  	s0 =	rddreg [dreg:$0x0];
	s2 =	stileid.u32  }
0x1a7: {  	s1 =	rddreg [dreg:$0x1];
	p0 =	sne.s32 s2, $0x0  }
0x1a8: {  	s3 =	rddreg [dreg:$0x2];
	[bflag:$0x3] =	sbarrier.arrive $0xFFFF;
	s2 =	simm.s32 @!p0 $0x1C09  }
0x1a9: {  	[timem:s3], [sflag:s2] =	dma.local @!p0 [hbm:s0], s1  }
0x1aa: {  	s0 =	simm.s32 @!p0 $0x9  }
0x1ab: {  	_ =	swait.ge @!p0 [sflag:s0], s1  }
0x1ac: {  	s1 =	ssub.s32 @!p0 $0x0, s1;
	[sflag:s0] =	ssyncset.done @!p0 $0x0  }
0x1ad: {  	[sflag:s0] =	ssyncadd.s32 @!p0 s1  }
0x1ae: {  	[bflag:$0x3] =	sbarrier.arrive $0xFFFF  }
0x1af: {  	_ =	shalt  }

</sc_bundles>
